<compile_context>
chip_gen: v7x
topology: tpu7x:2x2x1
jax: 0.10.2.dev20260603
libtpu: 0.0.44.dev20260713+nightly
codegen_flags: <defaults>
</compile_context>

<pallas_src>
import functools

import jax
import jax.numpy as jnp
from jax import lax
from jax.experimental import pallas as pl
from jax.experimental.pallas import tpu as pltpu
from jax.experimental.pallas import tpu_sc as plsc

WORD_NUM = 100000
EMBED = 128
BATCH = 16384
Y_MAX = 100.0
ALPHA = 0.75

_NC = 2
_NS = 16
_NW = _NC * _NS
_BPW = BATCH // _NW
_CH = 128
_NCHUNK = _BPW // _CH
_NJOB = 8
_NBUF = 7


def _sc_gather(ci3, ti3, ctx_tab, tgt_tab, ctx_bias, tgt_bias):
    mesh = plsc.VectorSubcoreMesh(core_axis_name="c", subcore_axis_name="s")
    f32 = jnp.float32
    rows_t = jax.ShapeDtypeStruct((_NW, _NCHUNK, _CH, EMBED), f32)
    bias_t = jax.ShapeDtypeStruct((_NW, _NCHUNK, _CH), f32)

    @functools.partial(
        pl.kernel,
        mesh=mesh,
        out_type=(rows_t, rows_t, bias_t, bias_t),
        scratch_types=[
            pltpu.VMEM((_NCHUNK, _CH), jnp.int32),
            pltpu.VMEM((_NCHUNK, _CH), jnp.int32),
            pltpu.VMEM((_NBUF, _CH, EMBED), f32),
            pltpu.VMEM((2, _NCHUNK, _CH), f32),
            pltpu.SemaphoreType.DMA,
            pltpu.SemaphoreType.DMA,
            pltpu.SemaphoreType.DMA,
        ],
    )
    def k(ci_hbm, ti_hbm, ct_hbm, tt_hbm, cb_hbm, tb_hbm,
          wc_out, wt_out, bc_out, bt_out, cidx_v, tidx_v, buf_v,
          bias_v, semg, semw, semb):
        wid = lax.axis_index("s") * _NC + lax.axis_index("c")
        tabs = (ct_hbm, tt_hbm)
        btabs = (cb_hbm, tb_hbm)
        routs = (wc_out, wt_out)
        bouts = (bc_out, bt_out)
        idxs = (cidx_v, tidx_v)

        pltpu.sync_copy(ci_hbm.at[wid], cidx_v)
        pltpu.sync_copy(ti_hbm.at[wid], tidx_v)

        bias_gets = []
        for t in range(2):
            for c in range(_NCHUNK):
                op = pltpu.make_async_copy(
                    btabs[t].at[idxs[t].at[c]], bias_v.at[t, c], semb)
                op.start()
                bias_gets.append(op)

        gath = {}

        def fire_job(j):
            t, c = j // _NCHUNK, j % _NCHUNK
            op = pltpu.make_async_copy(
                tabs[t].at[idxs[t].at[c]],
                buf_v.at[j % _NBUF], semg)
            op.start()
            gath[j] = op

        for j in range(_NBUF):
            fire_job(j)

        writes = {}
        for j in range(_NJOB):
            gath[j].wait()
            t, c = j // _NCHUNK, j % _NCHUNK
            wop = pltpu.make_async_copy(
                buf_v.at[j % _NBUF], routs[t].at[wid, c], semw)
            wop.start()
            writes[j] = wop
            if j + _NBUF < _NJOB:
                writes[j].wait()
                fire_job(j + _NBUF)

        for op in bias_gets:
            op.wait()
        bias_ws = []
        for t in range(2):
            wop = pltpu.make_async_copy(bias_v.at[t], bouts[t].at[wid], semb)
            wop.start()
            bias_ws.append(wop)
        for j in range(_NJOB):
            if j + _NBUF >= _NJOB:
                writes[j].wait()
        for wop in bias_ws:
            wop.wait()

    return k(ci3, ti3, ctx_tab, tgt_tab, ctx_bias, tgt_bias)


_BLK = 8192
_NB = BATCH // _BLK


def _tc_prep(y):
    def body(y_ref, w_ref, ly_ref):
        yv = y_ref[...]
        w_ref[...] = jnp.where(yv < Y_MAX, (yv / Y_MAX) ** ALPHA, 1.0)
        ly_ref[...] = jnp.log(yv)

    return pl.pallas_call(
        body,
        out_shape=(jax.ShapeDtypeStruct((BATCH,), jnp.float32),
                   jax.ShapeDtypeStruct((BATCH,), jnp.float32)),
    )(y)


_GRP = _BLK // EMBED


def _tc_loss(wc, wt, bc, bt, w, ly):
    def body(wc_ref, wt_ref, bc_ref, bt_ref, w_ref, ly_ref, out_ref, m_ref):
        i = pl.program_id(0)

        @pl.when(i == 0)
        def _():
            bi = jax.lax.broadcasted_iota(jnp.int32, (_BLK, EMBED), 0)
            li = jax.lax.broadcasted_iota(jnp.int32, (_BLK, EMBED), 1)
            m_ref[...] = jnp.where((bi % EMBED) == li, 1.0, 0.0)
            out_ref[0, 0] = 0.0

        prod = (wc_ref[...] * wt_ref[...]).astype(jnp.bfloat16)
        ones_m = jnp.ones((EMBED, EMBED), jnp.bfloat16)
        dotm = jax.lax.dot_general(prod, ones_m, (((1,), (0,)), ((), ())),
                                   preferred_element_type=jnp.float32)
        z = dotm * m_ref[...]
        t = jnp.sum(z.reshape(_GRP, EMBED, EMBED), axis=1)
        pred = t + bc_ref[...] + bt_ref[...]
        part = jnp.sum(w_ref[...] * (pred - ly_ref[...]) ** 2)
        out_ref[0, 0] += part

    tile = pl.BlockSpec((_GRP, EMBED), lambda i: (i, 0))
    out = pl.pallas_call(
        body,
        grid=(_NB,),
        in_specs=[
            pl.BlockSpec((_BLK, EMBED), lambda i: (i, 0)),
            pl.BlockSpec((_BLK, EMBED), lambda i: (i, 0)),
            tile, tile, tile, tile,
        ],
        out_specs=pl.BlockSpec(memory_space=pltpu.SMEM),
        out_shape=jax.ShapeDtypeStruct((1, 1), jnp.float32),
        scratch_shapes=[pltpu.VMEM((_BLK, EMBED), jnp.float32)],
    )(wc, wt, bc, bt, w, ly)
    return out[0, 0] / BATCH


def kernel(context_idx, target_idx, y, context_table, target_table, context_bias, target_bias):
    ci = context_idx.astype(jnp.int32).reshape(_NW, _NCHUNK, _CH)
    ti = target_idx.astype(jnp.int32).reshape(_NW, _NCHUNK, _CH)
    w, ly = _tc_prep(y)
    wc4, wt4, bc3, bt3 = _sc_gather(ci, ti, context_table, target_table,
                                    context_bias, target_bias)
    wc = wc4.reshape(BATCH, EMBED)
    wt = wt4.reshape(BATCH, EMBED)
    bc = bc3.reshape(BATCH // EMBED, EMBED)
    bt = bt3.reshape(BATCH // EMBED, EMBED)
    w2 = w.reshape(BATCH // EMBED, EMBED)
    ly2 = ly.reshape(BATCH // EMBED, EMBED)
    return _tc_loss(wc, wt, bc, bt, w2, ly2)

# --- scband reference (transcript-rebuilt; emitter-appended) ---
"""Pipeline reference for scband-glo-ve-13872744366853 (READ-ONLY COPY).

The authoritative reference and input builder live on the scoring server;
editing this copy changes nothing except your own understanding.
"""

import jax, jax.numpy as jnp
import numpy as np

WORD_NUM = 100000
EMBED = 128
BATCH = 16384
Y_MAX = 100.0
ALPHA = 0.75


def setup_inputs(seed: int = 0) -> dict:
    key = jax.random.key(seed)
    k1, k2, k3, k4, k5, k6, k7 = jax.random.split(key, 7)
    context_idx = jax.random.randint(k1, (BATCH,), 0, WORD_NUM)
    target_idx = jax.random.randint(k2, (BATCH,), 0, WORD_NUM)
    # co-occurrence counts: strictly positive so log(y) is finite
    y = jax.random.uniform(k3, (BATCH,), dtype=jnp.float32) * 150.0 + 1.0
    context_table = jax.random.normal(k4, (WORD_NUM, EMBED), dtype=jnp.float32)
    target_table = jax.random.normal(k5, (WORD_NUM, EMBED), dtype=jnp.float32)
    context_bias = jax.random.normal(k6, (WORD_NUM,), dtype=jnp.float32)
    target_bias = jax.random.normal(k7, (WORD_NUM,), dtype=jnp.float32)
    return {
        "context_idx": context_idx,
        "target_idx": target_idx,
        "y": y,
        "context_table": context_table,
        "target_table": target_table,
        "context_bias": context_bias,
        "target_bias": target_bias,
    }


def reference(context_idx, target_idx, y, context_table, target_table, context_bias, target_bias):
    # GloVe forward: weighted squared error between dot-product prediction and log co-occurrence
    w_c = jnp.take(context_table, context_idx, axis=0)   # [B, E] gather
    w_t = jnp.take(target_table, target_idx, axis=0)     # [B, E] gather
    b_c = jnp.take(context_bias, context_idx, axis=0)    # [B]    gather
    b_t = jnp.take(target_bias, target_idx, axis=0)      # [B]    gather
    weight = jnp.where(y < Y_MAX, (y / Y_MAX) ** ALPHA, jnp.ones_like(y))
    pred = jnp.sum(w_c * w_t, axis=-1) + b_c + b_t
    loss = jnp.mean(weight * (pred - jnp.log(y)) ** 2)
    return loss

if __name__ == "__main__":
    import jax
    _d = setup_inputs()
    print(jax.jit(kernel)(*tuple(_d.values())))

</pallas_src>

<mosaic_0001>
#map = affine_map<(d0, d1) -> (0, 0, 0)>
#map1 = affine_map<(d0, d1) -> (0, 0)>
#map2 = affine_map<(d0, d1) -> (0)>
#map3 = affine_map<(d0, d1) -> (0, 0, 0, 0)>
module attributes {stable_mosaic.version = 14 : i64} {
  func.func @k(%arg0: i32, %arg1: i32, %arg2: memref<32x4x128xi32, #tpu.memory_space<hbm>>, %arg3: memref<32x4x128xi32, #tpu.memory_space<hbm>>, %arg4: memref<100000x128xf32, #tpu.memory_space<hbm>>, %arg5: memref<100000x128xf32, #tpu.memory_space<hbm>>, %arg6: memref<100000xf32, #tpu.memory_space<hbm>>, %arg7: memref<100000xf32, #tpu.memory_space<hbm>>, %arg8: memref<32x4x128x128xf32, #tpu.memory_space<hbm>>, %arg9: memref<32x4x128x128xf32, #tpu.memory_space<hbm>>, %arg10: memref<32x4x128xf32, #tpu.memory_space<hbm>>, %arg11: memref<32x4x128xf32, #tpu.memory_space<hbm>>, %arg12: memref<4x128xi32, #tpu.memory_space<vmem>>, %arg13: memref<4x128xi32, #tpu.memory_space<vmem>>, %arg14: memref<7x128x128xf32, #tpu.memory_space<vmem>>, %arg15: memref<2x4x128xf32, #tpu.memory_space<vmem>>, %arg16: memref<!tpu.dma_semaphore, #tpu.memory_space<semaphore_mem>>, %arg17: memref<!tpu.dma_semaphore, #tpu.memory_space<semaphore_mem>>, %arg18: memref<!tpu.dma_semaphore, #tpu.memory_space<semaphore_mem>>) attributes {dimension_semantics = [#tpu.dimension_semantics<core_parallel>, #tpu.dimension_semantics<subcore_parallel>], iteration_bounds = array<i64: 2, 16>, scalar_prefetch = 0 : i64, scratch_operands = 7 : i64, tpu.core_type = #tpu.core_type<sc_vector_subcore>, window_params = [{transform_indices = #map}, {transform_indices = #map}, {transform_indices = #map1}, {transform_indices = #map1}, {transform_indices = #map2}, {transform_indices = #map2}, {transform_indices = #map3}, {transform_indices = #map3}, {transform_indices = #map}, {transform_indices = #map}]} {
    %mul3A = arith.constant 2 : i32
    %mul3A_0 = arith.muli %arg1, %mul3A : i32
    %add3A = arith.addi %mul3A_0, %arg0 : i32
    "tpu.region"() ({
      %run_scoped3A = tpu.sem_alloc : memref<!tpu.dma_semaphore, #tpu.memory_space<semaphore_mem>>
      %dma_start3A_723 = arith.constant 0 : i32
      %dma_start3A_724 = arith.constant 0 : i32
      %dma_start3A_725 = tpu.memref_slice %arg2[%add3A, %dma_start3A_723, %dma_start3A_724] : memref<32x4x128xi32, #tpu.memory_space<hbm>> -> memref<1x4x128xi32, #tpu.memory_space<hbm>>
      %dma_start3A_726 = tpu.memref_squeeze %dma_start3A_725 : memref<1x4x128xi32, #tpu.memory_space<hbm>> -> memref<4x128xi32, #tpu.memory_space<hbm>>
      %dma_start3A_727 = arith.constant 0 : i32
      %dma_start3A_728 = arith.constant 0 : i32
      %dma_start3A_729 = tpu.memref_slice %arg2[%add3A, %dma_start3A_727, %dma_start3A_728] : memref<32x4x128xi32, #tpu.memory_space<hbm>> -> memref<1x4x128xi32, #tpu.memory_space<hbm>>
      %dma_start3A_730 = tpu.memref_squeeze %dma_start3A_729 : memref<1x4x128xi32, #tpu.memory_space<hbm>> -> memref<4x128xi32, #tpu.memory_space<hbm>>
      tpu.enqueue_dma source(%dma_start3A_730 : memref<4x128xi32, #tpu.memory_space<hbm>>) target(%arg12 : memref<4x128xi32, #tpu.memory_space<vmem>>) target_semaphore(%run_scoped3A : memref<!tpu.dma_semaphore, #tpu.memory_space<semaphore_mem>>)
      %dma_wait3A_731 = arith.constant 0 : i32
      %dma_wait3A_732 = arith.constant 0 : i32
      %dma_wait3A_733 = tpu.memref_slice %arg2[%add3A, %dma_wait3A_731, %dma_wait3A_732] : memref<32x4x128xi32, #tpu.memory_space<hbm>> -> memref<1x4x128xi32, #tpu.memory_space<hbm>>
      %dma_wait3A_734 = tpu.memref_squeeze %dma_wait3A_733 : memref<1x4x128xi32, #tpu.memory_space<hbm>> -> memref<4x128xi32, #tpu.memory_space<hbm>>
      %dma_wait3A_735 = arith.constant 0 : i32
      %dma_wait3A_736 = arith.constant 0 : i32
      %dma_wait3A_737 = tpu.memref_slice %arg2[%add3A, %dma_wait3A_735, %dma_wait3A_736] : memref<32x4x128xi32, #tpu.memory_space<hbm>> -> memref<1x4x128xi32, #tpu.memory_space<hbm>>
      %dma_wait3A_738 = tpu.memref_squeeze %dma_wait3A_737 : memref<1x4x128xi32, #tpu.memory_space<hbm>> -> memref<4x128xi32, #tpu.memory_space<hbm>>
      tpu.wait_dma2 semaphore(%run_scoped3A : memref<!tpu.dma_semaphore, #tpu.memory_space<semaphore_mem>>) src(%dma_wait3A_738 : memref<4x128xi32, #tpu.memory_space<hbm>>) dst(%arg12 : memref<4x128xi32, #tpu.memory_space<vmem>>)
      tpu.yield
    }) : () -> ()
    "tpu.region"() ({
      %run_scoped3A = tpu.sem_alloc : memref<!tpu.dma_semaphore, #tpu.memory_space<semaphore_mem>>
      %dma_start3A_723 = arith.constant 0 : i32
      %dma_start3A_724 = arith.constant 0 : i32
      %dma_start3A_725 = tpu.memref_slice %arg3[%add3A, %dma_start3A_723, %dma_start3A_724] : memref<32x4x128xi32, #tpu.memory_space<hbm>> -> memref<1x4x128xi32, #tpu.memory_space<hbm>>
      %dma_start3A_726 = tpu.memref_squeeze %dma_start3A_725 : memref<1x4x128xi32, #tpu.memory_space<hbm>> -> memref<4x128xi32, #tpu.memory_space<hbm>>
      %dma_start3A_727 = arith.constant 0 : i32
      %dma_start3A_728 = arith.constant 0 : i32
      %dma_start3A_729 = tpu.memref_slice %arg3[%add3A, %dma_start3A_727, %dma_start3A_728] : memref<32x4x128xi32, #tpu.memory_space<hbm>> -> memref<1x4x128xi32, #tpu.memory_space<hbm>>
      %dma_start3A_730 = tpu.memref_squeeze %dma_start3A_729 : memref<1x4x128xi32, #tpu.memory_space<hbm>> -> memref<4x128xi32, #tpu.memory_space<hbm>>
      tpu.enqueue_dma source(%dma_start3A_730 : memref<4x128xi32, #tpu.memory_space<hbm>>) target(%arg13 : memref<4x128xi32, #tpu.memory_space<vmem>>) target_semaphore(%run_scoped3A : memref<!tpu.dma_semaphore, #tpu.memory_space<semaphore_mem>>)
      %dma_wait3A_731 = arith.constant 0 : i32
      %dma_wait3A_732 = arith.constant 0 : i32
      %dma_wait3A_733 = tpu.memref_slice %arg3[%add3A, %dma_wait3A_731, %dma_wait3A_732] : memref<32x4x128xi32, #tpu.memory_space<hbm>> -> memref<1x4x128xi32, #tpu.memory_space<hbm>>
      %dma_wait3A_734 = tpu.memref_squeeze %dma_wait3A_733 : memref<1x4x128xi32, #tpu.memory_space<hbm>> -> memref<4x128xi32, #tpu.memory_space<hbm>>
      %dma_wait3A_735 = arith.constant 0 : i32
      %dma_wait3A_736 = arith.constant 0 : i32
      %dma_wait3A_737 = tpu.memref_slice %arg3[%add3A, %dma_wait3A_735, %dma_wait3A_736] : memref<32x4x128xi32, #tpu.memory_space<hbm>> -> memref<1x4x128xi32, #tpu.memory_space<hbm>>
      %dma_wait3A_738 = tpu.memref_squeeze %dma_wait3A_737 : memref<1x4x128xi32, #tpu.memory_space<hbm>> -> memref<4x128xi32, #tpu.memory_space<hbm>>
      tpu.wait_dma2 semaphore(%run_scoped3A : memref<!tpu.dma_semaphore, #tpu.memory_space<semaphore_mem>>) src(%dma_wait3A_738 : memref<4x128xi32, #tpu.memory_space<hbm>>) dst(%arg13 : memref<4x128xi32, #tpu.memory_space<vmem>>)
      tpu.yield
    }) : () -> ()
    %dma_start3A = arith.constant 0 : i32
    %dma_start3A_1 = arith.constant 0 : i32
    %dma_start3A_2 = arith.constant 0 : i32
    %dma_start3A_3 = arith.constant 0 : i32
    %dma_start3A_4 = tpu.memref_slice %arg15[%dma_start3A_1, %dma_start3A_2, %dma_start3A_3] : memref<2x4x128xf32, #tpu.memory_space<vmem>> -> memref<1x1x128xf32, #tpu.memory_space<vmem>>
    %dma_start3A_5 = tpu.memref_squeeze %dma_start3A_4 : memref<1x1x128xf32, #tpu.memory_space<vmem>> -> memref<128xf32, #tpu.memory_space<vmem>>
    %dma_start3A_6 = arith.constant 0 : i32
    %dma_start3A_7 = tpu.memref_slice %arg12[%dma_start3A, %dma_start3A_6] : memref<4x128xi32, #tpu.memory_space<vmem>> -> memref<1x128xi32, #tpu.memory_space<vmem>>
    %dma_start3A_8 = tpu.memref_squeeze %dma_start3A_7 : memref<1x128xi32, #tpu.memory_space<vmem>> -> memref<128xi32, #tpu.memory_space<vmem>>
    %dma_start3A_9 = arith.constant 0 : i32
    %dma_start3A_10 = tpu.memref_slice %arg6[%dma_start3A_9] : memref<100000xf32, #tpu.memory_space<hbm>> -> memref<100000xf32, #tpu.memory_space<hbm>>
    tpu.enqueue_indirect_dma source(%dma_start3A_10 : memref<100000xf32, #tpu.memory_space<hbm>>) target(%dma_start3A_5 : memref<128xf32, #tpu.memory_space<vmem>>) offsets(%dma_start3A_8 : memref<128xi32, #tpu.memory_space<vmem>>) semaphore(%arg18 : memref<!tpu.dma_semaphore, #tpu.memory_space<semaphore_mem>>)
    %dma_start3A_11 = arith.constant 1 : i32
    %dma_start3A_12 = arith.constant 0 : i32
    %dma_start3A_13 = arith.constant 1 : i32
    %dma_start3A_14 = arith.constant 0 : i32
    %dma_start3A_15 = tpu.memref_slice %arg15[%dma_start3A_12, %dma_start3A_13, %dma_start3A_14] : memref<2x4x128xf32, #tpu.memory_space<vmem>> -> memref<1x1x128xf32, #tpu.memory_space<vmem>>
    %dma_start3A_16 = tpu.memref_squeeze %dma_start3A_15 : memref<1x1x128xf32, #tpu.memory_space<vmem>> -> memref<128xf32, #tpu.memory_space<vmem>>
    %dma_start3A_17 = arith.constant 0 : i32
    %dma_start3A_18 = tpu.memref_slice %arg12[%dma_start3A_11, %dma_start3A_17] : memref<4x128xi32, #tpu.memory_space<vmem>> -> memref<1x128xi32, #tpu.memory_space<vmem>>
    %dma_start3A_19 = tpu.memref_squeeze %dma_start3A_18 : memref<1x128xi32, #tpu.memory_space<vmem>> -> memref<128xi32, #tpu.memory_space<vmem>>
    %dma_start3A_20 = arith.constant 0 : i32
    %dma_start3A_21 = tpu.memref_slice %arg6[%dma_start3A_20] : memref<100000xf32, #tpu.memory_space<hbm>> -> memref<100000xf32, #tpu.memory_space<hbm>>
    tpu.enqueue_indirect_dma source(%dma_start3A_21 : memref<100000xf32, #tpu.memory_space<hbm>>) target(%dma_start3A_16 : memref<128xf32, #tpu.memory_space<vmem>>) offsets(%dma_start3A_19 : memref<128xi32, #tpu.memory_space<vmem>>) semaphore(%arg18 : memref<!tpu.dma_semaphore, #tpu.memory_space<semaphore_mem>>)
    %dma_start3A_22 = arith.constant 2 : i32
    %dma_start3A_23 = arith.constant 0 : i32
    %dma_start3A_24 = arith.constant 2 : i32
    %dma_start3A_25 = arith.constant 0 : i32
    %dma_start3A_26 = tpu.memref_slice %arg15[%dma_start3A_23, %dma_start3A_24, %dma_start3A_25] : memref<2x4x128xf32, #tpu.memory_space<vmem>> -> memref<1x1x128xf32, #tpu.memory_space<vmem>>
    %dma_start3A_27 = tpu.memref_squeeze %dma_start3A_26 : memref<1x1x128xf32, #tpu.memory_space<vmem>> -> memref<128xf32, #tpu.memory_space<vmem>>
    %dma_start3A_28 = arith.constant 0 : i32
    %dma_start3A_29 = tpu.memref_slice %arg12[%dma_start3A_22, %dma_start3A_28] : memref<4x128xi32, #tpu.memory_space<vmem>> -> memref<1x128xi32, #tpu.memory_space<vmem>>
    %dma_start3A_30 = tpu.memref_squeeze %dma_start3A_29 : memref<1x128xi32, #tpu.memory_space<vmem>> -> memref<128xi32, #tpu.memory_space<vmem>>
    %dma_start3A_31 = arith.constant 0 : i32
    %dma_start3A_32 = tpu.memref_slice %arg6[%dma_start3A_31] : memref<100000xf32, #tpu.memory_space<hbm>> -> memref<100000xf32, #tpu.memory_space<hbm>>
    tpu.enqueue_indirect_dma source(%dma_start3A_32 : memref<100000xf32, #tpu.memory_space<hbm>>) target(%dma_start3A_27 : memref<128xf32, #tpu.memory_space<vmem>>) offsets(%dma_start3A_30 : memref<128xi32, #tpu.memory_space<vmem>>) semaphore(%arg18 : memref<!tpu.dma_semaphore, #tpu.memory_space<semaphore_mem>>)
    %dma_start3A_33 = arith.constant 3 : i32
    %dma_start3A_34 = arith.constant 0 : i32
    %dma_start3A_35 = arith.constant 3 : i32
    %dma_start3A_36 = arith.constant 0 : i32
    %dma_start3A_37 = tpu.memref_slice %arg15[%dma_start3A_34, %dma_start3A_35, %dma_start3A_36] : memref<2x4x128xf32, #tpu.memory_space<vmem>> -> memref<1x1x128xf32, #tpu.memory_space<vmem>>
    %dma_start3A_38 = tpu.memref_squeeze %dma_start3A_37 : memref<1x1x128xf32, #tpu.memory_space<vmem>> -> memref<128xf32, #tpu.memory_space<vmem>>
    %dma_start3A_39 = arith.constant 0 : i32
    %dma_start3A_40 = tpu.memref_slice %arg12[%dma_start3A_33, %dma_start3A_39] : memref<4x128xi32, #tpu.memory_space<vmem>> -> memref<1x128xi32, #tpu.memory_space<vmem>>
    %dma_start3A_41 = tpu.memref_squeeze %dma_start3A_40 : memref<1x128xi32, #tpu.memory_space<vmem>> -> memref<128xi32, #tpu.memory_space<vmem>>
    %dma_start3A_42 = arith.constant 0 : i32
    %dma_start3A_43 = tpu.memref_slice %arg6[%dma_start3A_42] : memref<100000xf32, #tpu.memory_space<hbm>> -> memref<100000xf32, #tpu.memory_space<hbm>>
    tpu.enqueue_indirect_dma source(%dma_start3A_43 : memref<100000xf32, #tpu.memory_space<hbm>>) target(%dma_start3A_38 : memref<128xf32, #tpu.memory_space<vmem>>) offsets(%dma_start3A_41 : memref<128xi32, #tpu.memory_space<vmem>>) semaphore(%arg18 : memref<!tpu.dma_semaphore, #tpu.memory_space<semaphore_mem>>)
    %dma_start3A_44 = arith.constant 0 : i32
    %dma_start3A_45 = arith.constant 1 : i32
    %dma_start3A_46 = arith.constant 0 : i32
    %dma_start3A_47 = arith.constant 0 : i32
    %dma_start3A_48 = tpu.memref_slice %arg15[%dma_start3A_45, %dma_start3A_46, %dma_start3A_47] : memref<2x4x128xf32, #tpu.memory_space<vmem>> -> memref<1x1x128xf32, #tpu.memory_space<vmem>>
    %dma_start3A_49 = tpu.memref_squeeze %dma_start3A_48 : memref<1x1x128xf32, #tpu.memory_space<vmem>> -> memref<128xf32, #tpu.memory_space<vmem>>
    %dma_start3A_50 = arith.constant 0 : i32
    %dma_start3A_51 = tpu.memref_slice %arg13[%dma_start3A_44, %dma_start3A_50] : memref<4x128xi32, #tpu.memory_space<vmem>> -> memref<1x128xi32, #tpu.memory_space<vmem>>
    %dma_start3A_52 = tpu.memref_squeeze %dma_start3A_51 : memref<1x128xi32, #tpu.memory_space<vmem>> -> memref<128xi32, #tpu.memory_space<vmem>>
    %dma_start3A_53 = arith.constant 0 : i32
    %dma_start3A_54 = tpu.memref_slice %arg7[%dma_start3A_53] : memref<100000xf32, #tpu.memory_space<hbm>> -> memref<100000xf32, #tpu.memory_space<hbm>>
    tpu.enqueue_indirect_dma source(%dma_start3A_54 : memref<100000xf32, #tpu.memory_space<hbm>>) target(%dma_start3A_49 : memref<128xf32, #tpu.memory_space<vmem>>) offsets(%dma_start3A_52 : memref<128xi32, #tpu.memory_space<vmem>>) semaphore(%arg18 : memref<!tpu.dma_semaphore, #tpu.memory_space<semaphore_mem>>)
    %dma_start3A_55 = arith.constant 1 : i32
    %dma_start3A_56 = arith.constant 1 : i32
    %dma_start3A_57 = arith.constant 1 : i32
    %dma_start3A_58 = arith.constant 0 : i32
    %dma_start3A_59 = tpu.memref_slice %arg15[%dma_start3A_56, %dma_start3A_57, %dma_start3A_58] : memref<2x4x128xf32, #tpu.memory_space<vmem>> -> memref<1x1x128xf32, #tpu.memory_space<vmem>>
    %dma_start3A_60 = tpu.memref_squeeze %dma_start3A_59 : memref<1x1x128xf32, #tpu.memory_space<vmem>> -> memref<128xf32, #tpu.memory_space<vmem>>
    %dma_start3A_61 = arith.constant 0 : i32
    %dma_start3A_62 = tpu.memref_slice %arg13[%dma_start3A_55, %dma_start3A_61] : memref<4x128xi32, #tpu.memory_space<vmem>> -> memref<1x128xi32, #tpu.memory_space<vmem>>
    %dma_start3A_63 = tpu.memref_squeeze %dma_start3A_62 : memref<1x128xi32, #tpu.memory_space<vmem>> -> memref<128xi32, #tpu.memory_space<vmem>>
    %dma_start3A_64 = arith.constant 0 : i32
    %dma_start3A_65 = tpu.memref_slice %arg7[%dma_start3A_64] : memref<100000xf32, #tpu.memory_space<hbm>> -> memref<100000xf32, #tpu.memory_space<hbm>>
    tpu.enqueue_indirect_dma source(%dma_start3A_65 : memref<100000xf32, #tpu.memory_space<hbm>>) target(%dma_start3A_60 : memref<128xf32, #tpu.memory_space<vmem>>) offsets(%dma_start3A_63 : memref<128xi32, #tpu.memory_space<vmem>>) semaphore(%arg18 : memref<!tpu.dma_semaphore, #tpu.memory_space<semaphore_mem>>)
    %dma_start3A_66 = arith.constant 2 : i32
    %dma_start3A_67 = arith.constant 1 : i32
    %dma_start3A_68 = arith.constant 2 : i32
    %dma_start3A_69 = arith.constant 0 : i32
    %dma_start3A_70 = tpu.memref_slice %arg15[%dma_start3A_67, %dma_start3A_68, %dma_start3A_69] : memref<2x4x128xf32, #tpu.memory_space<vmem>> -> memref<1x1x128xf32, #tpu.memory_space<vmem>>
    %dma_start3A_71 = tpu.memref_squeeze %dma_start3A_70 : memref<1x1x128xf32, #tpu.memory_space<vmem>> -> memref<128xf32, #tpu.memory_space<vmem>>
    %dma_start3A_72 = arith.constant 0 : i32
    %dma_start3A_73 = tpu.memref_slice %arg13[%dma_start3A_66, %dma_start3A_72] : memref<4x128xi32, #tpu.memory_space<vmem>> -> memref<1x128xi32, #tpu.memory_space<vmem>>
    %dma_start3A_74 = tpu.memref_squeeze %dma_start3A_73 : memref<1x128xi32, #tpu.memory_space<vmem>> -> memref<128xi32, #tpu.memory_space<vmem>>
    %dma_start3A_75 = arith.constant 0 : i32
    %dma_start3A_76 = tpu.memref_slice %arg7[%dma_start3A_75] : memref<100000xf32, #tpu.memory_space<hbm>> -> memref<100000xf32, #tpu.memory_space<hbm>>
    tpu.enqueue_indirect_dma source(%dma_start3A_76 : memref<100000xf32, #tpu.memory_space<hbm>>) target(%dma_start3A_71 : memref<128xf32, #tpu.memory_space<vmem>>) offsets(%dma_start3A_74 : memref<128xi32, #tpu.memory_space<vmem>>) semaphore(%arg18 : memref<!tpu.dma_semaphore, #tpu.memory_space<semaphore_mem>>)
    %dma_start3A_77 = arith.constant 3 : i32
    %dma_start3A_78 = arith.constant 1 : i32
    %dma_start3A_79 = arith.constant 3 : i32
    %dma_start3A_80 = arith.constant 0 : i32
    %dma_start3A_81 = tpu.memref_slice %arg15[%dma_start3A_78, %dma_start3A_79, %dma_start3A_80] : memref<2x4x128xf32, #tpu.memory_space<vmem>> -> memref<1x1x128xf32, #tpu.memory_space<vmem>>
    %dma_start3A_82 = tpu.memref_squeeze %dma_start3A_81 : memref<1x1x128xf32, #tpu.memory_space<vmem>> -> memref<128xf32, #tpu.memory_space<vmem>>
    %dma_start3A_83 = arith.constant 0 : i32
    %dma_start3A_84 = tpu.memref_slice %arg13[%dma_start3A_77, %dma_start3A_83] : memref<4x128xi32, #tpu.memory_space<vmem>> -> memref<1x128xi32, #tpu.memory_space<vmem>>
    %dma_start3A_85 = tpu.memref_squeeze %dma_start3A_84 : memref<1x128xi32, #tpu.memory_space<vmem>> -> memref<128xi32, #tpu.memory_space<vmem>>
    %dma_start3A_86 = arith.constant 0 : i32
    %dma_start3A_87 = tpu.memref_slice %arg7[%dma_start3A_86] : memref<100000xf32, #tpu.memory_space<hbm>> -> memref<100000xf32, #tpu.memory_space<hbm>>
    tpu.enqueue_indirect_dma source(%dma_start3A_87 : memref<100000xf32, #tpu.memory_space<hbm>>) target(%dma_start3A_82 : memref<128xf32, #tpu.memory_space<vmem>>) offsets(%dma_start3A_85 : memref<128xi32, #tpu.memory_space<vmem>>) semaphore(%arg18 : memref<!tpu.dma_semaphore, #tpu.memory_space<semaphore_mem>>)
    %dma_start3A_88 = arith.constant 0 : i32
    %dma_start3A_89 = arith.constant 0 : i32
    %dma_start3A_90 = arith.constant 0 : i32
    %dma_start3A_91 = arith.constant 0 : i32
    %dma_start3A_92 = tpu.memref_slice %arg14[%dma_start3A_89, %dma_start3A_90, %dma_start3A_91] : memref<7x128x128xf32, #tpu.memory_space<vmem>> -> memref<1x128x128xf32, #tpu.memory_space<vmem>>
    %dma_start3A_93 = tpu.memref_squeeze %dma_start3A_92 : memref<1x128x128xf32, #tpu.memory_space<vmem>> -> memref<128x128xf32, #tpu.memory_space<vmem>>
    %dma_start3A_94 = arith.constant 0 : i32
    %dma_start3A_95 = tpu.memref_slice %arg12[%dma_start3A_88, %dma_start3A_94] : memref<4x128xi32, #tpu.memory_space<vmem>> -> memref<1x128xi32, #tpu.memory_space<vmem>>
    %dma_start3A_96 = tpu.memref_squeeze %dma_start3A_95 : memref<1x128xi32, #tpu.memory_space<vmem>> -> memref<128xi32, #tpu.memory_space<vmem>>
    %dma_start3A_97 = arith.constant 0 : i32
    %dma_start3A_98 = arith.constant 0 : i32
    %dma_start3A_99 = tpu.memref_slice %arg4[%dma_start3A_97, %dma_start3A_98] : memref<100000x128xf32, #tpu.memory_space<hbm>> -> memref<100000x128xf32, #tpu.memory_space<hbm>>
    tpu.enqueue_indirect_dma source(%dma_start3A_99 : memref<100000x128xf32, #tpu.memory_space<hbm>>) target(%dma_start3A_93 : memref<128x128xf32, #tpu.memory_space<vmem>>) offsets(%dma_start3A_96 : memref<128xi32, #tpu.memory_space<vmem>>) semaphore(%arg16 : memref<!tpu.dma_semaphore, #tpu.memory_space<semaphore_mem>>)
    %dma_start3A_100 = arith.constant 1 : i32
    %dma_start3A_101 = arith.constant 1 : i32
    %dma_start3A_102 = arith.constant 0 : i32
    %dma_start3A_103 = arith.constant 0 : i32
    %dma_start3A_104 = tpu.memref_slice %arg14[%dma_start3A_101, %dma_start3A_102, %dma_start3A_103] : memref<7x128x128xf32, #tpu.memory_space<vmem>> -> memref<1x128x128xf32, #tpu.memory_space<vmem>>
    %dma_start3A_105 = tpu.memref_squeeze %dma_start3A_104 : memref<1x128x128xf32, #tpu.memory_space<vmem>> -> memref<128x128xf32, #tpu.memory_space<vmem>>
    %dma_start3A_106 = arith.constant 0 : i32
    %dma_start3A_107 = tpu.memref_slice %arg12[%dma_start3A_100, %dma_start3A_106] : memref<4x128xi32, #tpu.memory_space<vmem>> -> memref<1x128xi32, #tpu.memory_space<vmem>>
    %dma_start3A_108 = tpu.memref_squeeze %dma_start3A_107 : memref<1x128xi32, #tpu.memory_space<vmem>> -> memref<128xi32, #tpu.memory_space<vmem>>
    %dma_start3A_109 = arith.constant 0 : i32
    %dma_start3A_110 = arith.constant 0 : i32
    %dma_start3A_111 = tpu.memref_slice %arg4[%dma_start3A_109, %dma_start3A_110] : memref<100000x128xf32, #tpu.memory_space<hbm>> -> memref<100000x128xf32, #tpu.memory_space<hbm>>
    tpu.enqueue_indirect_dma source(%dma_start3A_111 : memref<100000x128xf32, #tpu.memory_space<hbm>>) target(%dma_start3A_105 : memref<128x128xf32, #tpu.memory_space<vmem>>) offsets(%dma_start3A_108 : memref<128xi32, #tpu.memory_space<vmem>>) semaphore(%arg16 : memref<!tpu.dma_semaphore, #tpu.memory_space<semaphore_mem>>)
    %dma_start3A_112 = arith.constant 2 : i32
    %dma_start3A_113 = arith.constant 2 : i32
    %dma_start3A_114 = arith.constant 0 : i32
    %dma_start3A_115 = arith.constant 0 : i32
    %dma_start3A_116 = tpu.memref_slice %arg14[%dma_start3A_113, %dma_start3A_114, %dma_start3A_115] : memref<7x128x128xf32, #tpu.memory_space<vmem>> -> memref<1x128x128xf32, #tpu.memory_space<vmem>>
    %dma_start3A_117 = tpu.memref_squeeze %dma_start3A_116 : memref<1x128x128xf32, #tpu.memory_space<vmem>> -> memref<128x128xf32, #tpu.memory_space<vmem>>
    %dma_start3A_118 = arith.constant 0 : i32
    %dma_start3A_119 = tpu.memref_slice %arg12[%dma_start3A_112, %dma_start3A_118] : memref<4x128xi32, #tpu.memory_space<vmem>> -> memref<1x128xi32, #tpu.memory_space<vmem>>
    %dma_start3A_120 = tpu.memref_squeeze %dma_start3A_119 : memref<1x128xi32, #tpu.memory_space<vmem>> -> memref<128xi32, #tpu.memory_space<vmem>>
    %dma_start3A_121 = arith.constant 0 : i32
    %dma_start3A_122 = arith.constant 0 : i32
    %dma_start3A_123 = tpu.memref_slice %arg4[%dma_start3A_121, %dma_start3A_122] : memref<100000x128xf32, #tpu.memory_space<hbm>> -> memref<100000x128xf32, #tpu.memory_space<hbm>>
    tpu.enqueue_indirect_dma source(%dma_start3A_123 : memref<100000x128xf32, #tpu.memory_space<hbm>>) target(%dma_start3A_117 : memref<128x128xf32, #tpu.memory_space<vmem>>) offsets(%dma_start3A_120 : memref<128xi32, #tpu.memory_space<vmem>>) semaphore(%arg16 : memref<!tpu.dma_semaphore, #tpu.memory_space<semaphore_mem>>)
    %dma_start3A_124 = arith.constant 3 : i32
    %dma_start3A_125 = arith.constant 3 : i32
    %dma_start3A_126 = arith.constant 0 : i32
    %dma_start3A_127 = arith.constant 0 : i32
    %dma_start3A_128 = tpu.memref_slice %arg14[%dma_start3A_125, %dma_start3A_126, %dma_start3A_127] : memref<7x128x128xf32, #tpu.memory_space<vmem>> -> memref<1x128x128xf32, #tpu.memory_space<vmem>>
    %dma_start3A_129 = tpu.memref_squeeze %dma_start3A_128 : memref<1x128x128xf32, #tpu.memory_space<vmem>> -> memref<128x128xf32, #tpu.memory_space<vmem>>
    %dma_start3A_130 = arith.constant 0 : i32
    %dma_start3A_131 = tpu.memref_slice %arg12[%dma_start3A_124, %dma_start3A_130] : memref<4x128xi32, #tpu.memory_space<vmem>> -> memref<1x128xi32, #tpu.memory_space<vmem>>
    %dma_start3A_132 = tpu.memref_squeeze %dma_start3A_131 : memref<1x128xi32, #tpu.memory_space<vmem>> -> memref<128xi32, #tpu.memory_space<vmem>>
    %dma_start3A_133 = arith.constant 0 : i32
    %dma_start3A_134 = arith.constant 0 : i32
    %dma_start3A_135 = tpu.memref_slice %arg4[%dma_start3A_133, %dma_start3A_134] : memref<100000x128xf32, #tpu.memory_space<hbm>> -> memref<100000x128xf32, #tpu.memory_space<hbm>>
    tpu.enqueue_indirect_dma source(%dma_start3A_135 : memref<100000x128xf32, #tpu.memory_space<hbm>>) target(%dma_start3A_129 : memref<128x128xf32, #tpu.memory_space<vmem>>) offsets(%dma_start3A_132 : memref<128xi32, #tpu.memory_space<vmem>>) semaphore(%arg16 : memref<!tpu.dma_semaphore, #tpu.memory_space<semaphore_mem>>)
    %dma_start3A_136 = arith.constant 0 : i32
    %dma_start3A_137 = arith.constant 4 : i32
    %dma_start3A_138 = arith.constant 0 : i32
    %dma_start3A_139 = arith.constant 0 : i32
    %dma_start3A_140 = tpu.memref_slice %arg14[%dma_start3A_137, %dma_start3A_138, %dma_start3A_139] : memref<7x128x128xf32, #tpu.memory_space<vmem>> -> memref<1x128x128xf32, #tpu.memory_space<vmem>>
    %dma_start3A_141 = tpu.memref_squeeze %dma_start3A_140 : memref<1x128x128xf32, #tpu.memory_space<vmem>> -> memref<128x128xf32, #tpu.memory_space<vmem>>
    %dma_start3A_142 = arith.constant 0 : i32
    %dma_start3A_143 = tpu.memref_slice %arg13[%dma_start3A_136, %dma_start3A_142] : memref<4x128xi32, #tpu.memory_space<vmem>> -> memref<1x128xi32, #tpu.memory_space<vmem>>
    %dma_start3A_144 = tpu.memref_squeeze %dma_start3A_143 : memref<1x128xi32, #tpu.memory_space<vmem>> -> memref<128xi32, #tpu.memory_space<vmem>>
    %dma_start3A_145 = arith.constant 0 : i32
    %dma_start3A_146 = arith.constant 0 : i32
    %dma_start3A_147 = tpu.memref_slice %arg5[%dma_start3A_145, %dma_start3A_146] : memref<100000x128xf32, #tpu.memory_space<hbm>> -> memref<100000x128xf32, #tpu.memory_space<hbm>>
    tpu.enqueue_indirect_dma source(%dma_start3A_147 : memref<100000x128xf32, #tpu.memory_space<hbm>>) target(%dma_start3A_141 : memref<128x128xf32, #tpu.memory_space<vmem>>) offsets(%dma_start3A_144 : memref<128xi32, #tpu.memory_space<vmem>>) semaphore(%arg16 : memref<!tpu.dma_semaphore, #tpu.memory_space<semaphore_mem>>)
    %dma_start3A_148 = arith.constant 1 : i32
    %dma_start3A_149 = arith.constant 5 : i32
    %dma_start3A_150 = arith.constant 0 : i32
    %dma_start3A_151 = arith.constant 0 : i32
    %dma_start3A_152 = tpu.memref_slice %arg14[%dma_start3A_149, %dma_start3A_150, %dma_start3A_151] : memref<7x128x128xf32, #tpu.memory_space<vmem>> -> memref<1x128x128xf32, #tpu.memory_space<vmem>>
    %dma_start3A_153 = tpu.memref_squeeze %dma_start3A_152 : memref<1x128x128xf32, #tpu.memory_space<vmem>> -> memref<128x128xf32, #tpu.memory_space<vmem>>
    %dma_start3A_154 = arith.constant 0 : i32
    %dma_start3A_155 = tpu.memref_slice %arg13[%dma_start3A_148, %dma_start3A_154] : memref<4x128xi32, #tpu.memory_space<vmem>> -> memref<1x128xi32, #tpu.memory_space<vmem>>
    %dma_start3A_156 = tpu.memref_squeeze %dma_start3A_155 : memref<1x128xi32, #tpu.memory_space<vmem>> -> memref<128xi32, #tpu.memory_space<vmem>>
    %dma_start3A_157 = arith.constant 0 : i32
    %dma_start3A_158 = arith.constant 0 : i32
    %dma_start3A_159 = tpu.memref_slice %arg5[%dma_start3A_157, %dma_start3A_158] : memref<100000x128xf32, #tpu.memory_space<hbm>> -> memref<100000x128xf32, #tpu.memory_space<hbm>>
    tpu.enqueue_indirect_dma source(%dma_start3A_159 : memref<100000x128xf32, #tpu.memory_space<hbm>>) target(%dma_start3A_153 : memref<128x128xf32, #tpu.memory_space<vmem>>) offsets(%dma_start3A_156 : memref<128xi32, #tpu.memory_space<vmem>>) semaphore(%arg16 : memref<!tpu.dma_semaphore, #tpu.memory_space<semaphore_mem>>)
    %dma_start3A_160 = arith.constant 2 : i32
    %dma_start3A_161 = arith.constant 6 : i32
    %dma_start3A_162 = arith.constant 0 : i32
    %dma_start3A_163 = arith.constant 0 : i32
    %dma_start3A_164 = tpu.memref_slice %arg14[%dma_start3A_161, %dma_start3A_162, %dma_start3A_163] : memref<7x128x128xf32, #tpu.memory_space<vmem>> -> memref<1x128x128xf32, #tpu.memory_space<vmem>>
    %dma_start3A_165 = tpu.memref_squeeze %dma_start3A_164 : memref<1x128x128xf32, #tpu.memory_space<vmem>> -> memref<128x128xf32, #tpu.memory_space<vmem>>
    %dma_start3A_166 = arith.constant 0 : i32
    %dma_start3A_167 = tpu.memref_slice %arg13[%dma_start3A_160, %dma_start3A_166] : memref<4x128xi32, #tpu.memory_space<vmem>> -> memref<1x128xi32, #tpu.memory_space<vmem>>
    %dma_start3A_168 = tpu.memref_squeeze %dma_start3A_167 : memref<1x128xi32, #tpu.memory_space<vmem>> -> memref<128xi32, #tpu.memory_space<vmem>>
    %dma_start3A_169 = arith.constant 0 : i32
    %dma_start3A_170 = arith.constant 0 : i32
    %dma_start3A_171 = tpu.memref_slice %arg5[%dma_start3A_169, %dma_start3A_170] : memref<100000x128xf32, #tpu.memory_space<hbm>> -> memref<100000x128xf32, #tpu.memory_space<hbm>>
    tpu.enqueue_indirect_dma source(%dma_start3A_171 : memref<100000x128xf32, #tpu.memory_space<hbm>>) target(%dma_start3A_165 : memref<128x128xf32, #tpu.memory_space<vmem>>) offsets(%dma_start3A_168 : memref<128xi32, #tpu.memory_space<vmem>>) semaphore(%arg16 : memref<!tpu.dma_semaphore, #tpu.memory_space<semaphore_mem>>)
    %dma_wait3A = arith.constant 0 : i32
    %dma_wait3A_172 = arith.constant 0 : i32
    %dma_wait3A_173 = arith.constant 0 : i32
    %dma_wait3A_174 = arith.constant 0 : i32
    %dma_wait3A_175 = tpu.memref_slice %arg14[%dma_wait3A_172, %dma_wait3A_173, %dma_wait3A_174] : memref<7x128x128xf32, #tpu.memory_space<vmem>> -> memref<1x128x128xf32, #tpu.memory_space<vmem>>
    %dma_wait3A_176 = tpu.memref_squeeze %dma_wait3A_175 : memref<1x128x128xf32, #tpu.memory_space<vmem>> -> memref<128x128xf32, #tpu.memory_space<vmem>>
    %dma_wait3A_177 = arith.constant 0 : i32
    %dma_wait3A_178 = tpu.memref_slice %arg12[%dma_wait3A, %dma_wait3A_177] : memref<4x128xi32, #tpu.memory_space<vmem>> -> memref<1x128xi32, #tpu.memory_space<vmem>>
    %dma_wait3A_179 = tpu.memref_squeeze %dma_wait3A_178 : memref<1x128xi32, #tpu.memory_space<vmem>> -> memref<128xi32, #tpu.memory_space<vmem>>
    %dma_wait3A_180 = arith.constant 0 : i32
    %dma_wait3A_181 = arith.constant 0 : i32
    %dma_wait3A_182 = tpu.memref_slice %arg4[%dma_wait3A_180, %dma_wait3A_181] : memref<100000x128xf32, #tpu.memory_space<hbm>> -> memref<100000x128xf32, #tpu.memory_space<hbm>>
    tpu.wait_indirect_dma semaphore(%arg16 : memref<!tpu.dma_semaphore, #tpu.memory_space<semaphore_mem>>) src(%dma_wait3A_182 : memref<100000x128xf32, #tpu.memory_space<hbm>>) dst(%dma_wait3A_176 : memref<128x128xf32, #tpu.memory_space<vmem>>)
    %dma_start3A_183 = arith.constant 0 : i32
    %dma_start3A_184 = arith.constant 0 : i32
    %dma_start3A_185 = arith.constant 0 : i32
    %dma_start3A_186 = arith.constant 0 : i32
    %dma_start3A_187 = tpu.memref_slice %arg14[%dma_start3A_183, %dma_start3A_185, %dma_start3A_186] : memref<7x128x128xf32, #tpu.memory_space<vmem>> -> memref<1x128x128xf32, #tpu.memory_space<vmem>>
    %dma_start3A_188 = tpu.memref_squeeze %dma_start3A_187 : memref<1x128x128xf32, #tpu.memory_space<vmem>> -> memref<128x128xf32, #tpu.memory_space<vmem>>
    %dma_start3A_189 = arith.constant 0 : i32
    %dma_start3A_190 = arith.constant 0 : i32
    %dma_start3A_191 = tpu.memref_slice %arg8[%add3A, %dma_start3A_184, %dma_start3A_189, %dma_start3A_190] : memref<32x4x128x128xf32, #tpu.memory_space<hbm>> -> memref<1x1x128x128xf32, #tpu.memory_space<hbm>>
    %dma_start3A_192 = tpu.memref_squeeze %dma_start3A_191 : memref<1x1x128x128xf32, #tpu.memory_space<hbm>> -> memref<128x128xf32, #tpu.memory_space<hbm>>
    %dma_start3A_193 = arith.constant 0 : i32
    %dma_start3A_194 = arith.constant 0 : i32
    %dma_start3A_195 = tpu.memref_slice %arg8[%add3A, %dma_start3A_184, %dma_start3A_193, %dma_start3A_194] : memref<32x4x128x128xf32, #tpu.memory_space<hbm>> -> memref<1x1x128x128xf32, #tpu.memory_space<hbm>>
    %dma_start3A_196 = tpu.memref_squeeze %dma_start3A_195 : memref<1x1x128x128xf32, #tpu.memory_space<hbm>> -> memref<128x128xf32, #tpu.memory_space<hbm>>
    %dma_start3A_197 = arith.constant 0 : i32
    %dma_start3A_198 = arith.constant 0 : i32
    %dma_start3A_199 = tpu.memref_slice %arg14[%dma_start3A_183, %dma_start3A_197, %dma_start3A_198] : memref<7x128x128xf32, #tpu.memory_space<vmem>> -> memref<1x128x128xf32, #tpu.memory_space<vmem>>
    %dma_start3A_200 = tpu.memref_squeeze %dma_start3A_199 : memref<1x128x128xf32, #tpu.memory_space<vmem>> -> memref<128x128xf32, #tpu.memory_space<vmem>>
    tpu.enqueue_dma source(%dma_start3A_200 : memref<128x128xf32, #tpu.memory_space<vmem>>) target(%dma_start3A_196 : memref<128x128xf32, #tpu.memory_space<hbm>>) target_semaphore(%arg17 : memref<!tpu.dma_semaphore, #tpu.memory_space<semaphore_mem>>)
    %dma_wait3A_201 = arith.constant 0 : i32
    %dma_wait3A_202 = arith.constant 0 : i32
    %dma_wait3A_203 = arith.constant 0 : i32
    %dma_wait3A_204 = arith.constant 0 : i32
    %dma_wait3A_205 = tpu.memref_slice %arg14[%dma_wait3A_201, %dma_wait3A_203, %dma_wait3A_204] : memref<7x128x128xf32, #tpu.memory_space<vmem>> -> memref<1x128x128xf32, #tpu.memory_space<vmem>>
    %dma_wait3A_206 = tpu.memref_squeeze %dma_wait3A_205 : memref<1x128x128xf32, #tpu.memory_space<vmem>> -> memref<128x128xf32, #tpu.memory_space<vmem>>
    %dma_wait3A_207 = arith.constant 0 : i32
    %dma_wait3A_208 = arith.constant 0 : i32
    %dma_wait3A_209 = tpu.memref_slice %arg8[%add3A, %dma_wait3A_202, %dma_wait3A_207, %dma_wait3A_208] : memref<32x4x128x128xf32, #tpu.memory_space<hbm>> -> memref<1x1x128x128xf32, #tpu.memory_space<hbm>>
    %dma_wait3A_210 = tpu.memref_squeeze %dma_wait3A_209 : memref<1x1x128x128xf32, #tpu.memory_space<hbm>> -> memref<128x128xf32, #tpu.memory_space<hbm>>
    %dma_wait3A_211 = arith.constant 0 : i32
    %dma_wait3A_212 = arith.constant 0 : i32
    %dma_wait3A_213 = tpu.memref_slice %arg8[%add3A, %dma_wait3A_202, %dma_wait3A_211, %dma_wait3A_212] : memref<32x4x128x128xf32, #tpu.memory_space<hbm>> -> memref<1x1x128x128xf32, #tpu.memory_space<hbm>>
    %dma_wait3A_214 = tpu.memref_squeeze %dma_wait3A_213 : memref<1x1x128x128xf32, #tpu.memory_space<hbm>> -> memref<128x128xf32, #tpu.memory_space<hbm>>
    %dma_wait3A_215 = arith.constant 0 : i32
    %dma_wait3A_216 = arith.constant 0 : i32
    %dma_wait3A_217 = tpu.memref_slice %arg14[%dma_wait3A_201, %dma_wait3A_215, %dma_wait3A_216] : memref<7x128x128xf32, #tpu.memory_space<vmem>> -> memref<1x128x128xf32, #tpu.memory_space<vmem>>
    %dma_wait3A_218 = tpu.memref_squeeze %dma_wait3A_217 : memref<1x128x128xf32, #tpu.memory_space<vmem>> -> memref<128x128xf32, #tpu.memory_space<vmem>>
    tpu.wait_dma2 semaphore(%arg17 : memref<!tpu.dma_semaphore, #tpu.memory_space<semaphore_mem>>) src(%dma_wait3A_218 : memref<128x128xf32, #tpu.memory_space<vmem>>) dst(%dma_wait3A_214 : memref<128x128xf32, #tpu.memory_space<hbm>>)
    %dma_start3A_219 = arith.constant 3 : i32
    %dma_start3A_220 = arith.constant 0 : i32
    %dma_start3A_221 = arith.constant 0 : i32
    %dma_start3A_222 = arith.constant 0 : i32
    %dma_start3A_223 = tpu.memref_slice %arg14[%dma_start3A_220, %dma_start3A_221, %dma_start3A_222] : memref<7x128x128xf32, #tpu.memory_space<vmem>> -> memref<1x128x128xf32, #tpu.memory_space<vmem>>
    %dma_start3A_224 = tpu.memref_squeeze %dma_start3A_223 : memref<1x128x128xf32, #tpu.memory_space<vmem>> -> memref<128x128xf32, #tpu.memory_space<vmem>>
    %dma_start3A_225 = arith.constant 0 : i32
    %dma_start3A_226 = tpu.memref_slice %arg13[%dma_start3A_219, %dma_start3A_225] : memref<4x128xi32, #tpu.memory_space<vmem>> -> memref<1x128xi32, #tpu.memory_space<vmem>>
    %dma_start3A_227 = tpu.memref_squeeze %dma_start3A_226 : memref<1x128xi32, #tpu.memory_space<vmem>> -> memref<128xi32, #tpu.memory_space<vmem>>
    %dma_start3A_228 = arith.constant 0 : i32
    %dma_start3A_229 = arith.constant 0 : i32
    %dma_start3A_230 = tpu.memref_slice %arg5[%dma_start3A_228, %dma_start3A_229] : memref<100000x128xf32, #tpu.memory_space<hbm>> -> memref<100000x128xf32, #tpu.memory_space<hbm>>
    tpu.enqueue_indirect_dma source(%dma_start3A_230 : memref<100000x128xf32, #tpu.memory_space<hbm>>) target(%dma_start3A_224 : memref<128x128xf32, #tpu.memory_space<vmem>>) offsets(%dma_start3A_227 : memref<128xi32, #tpu.memory_space<vmem>>) semaphore(%arg16 : memref<!tpu.dma_semaphore, #tpu.memory_space<semaphore_mem>>)
    %dma_wait3A_231 = arith.constant 1 : i32
    %dma_wait3A_232 = arith.constant 1 : i32
    %dma_wait3A_233 = arith.constant 0 : i32
    %dma_wait3A_234 = arith.constant 0 : i32
    %dma_wait3A_235 = tpu.memref_slice %arg14[%dma_wait3A_232, %dma_wait3A_233, %dma_wait3A_234] : memref<7x128x128xf32, #tpu.memory_space<vmem>> -> memref<1x128x128xf32, #tpu.memory_space<vmem>>
    %dma_wait3A_236 = tpu.memref_squeeze %dma_wait3A_235 : memref<1x128x128xf32, #tpu.memory_space<vmem>> -> memref<128x128xf32, #tpu.memory_space<vmem>>
    %dma_wait3A_237 = arith.constant 0 : i32
    %dma_wait3A_238 = tpu.memref_slice %arg12[%dma_wait3A_231, %dma_wait3A_237] : memref<4x128xi32, #tpu.memory_space<vmem>> -> memref<1x128xi32, #tpu.memory_space<vmem>>
    %dma_wait3A_239 = tpu.memref_squeeze %dma_wait3A_238 : memref<1x128xi32, #tpu.memory_space<vmem>> -> memref<128xi32, #tpu.memory_space<vmem>>
    %dma_wait3A_240 = arith.constant 0 : i32
    %dma_wait3A_241 = arith.constant 0 : i32
    %dma_wait3A_242 = tpu.memref_slice %arg4[%dma_wait3A_240, %dma_wait3A_241] : memref<100000x128xf32, #tpu.memory_space<hbm>> -> memref<100000x128xf32, #tpu.memory_space<hbm>>
    tpu.wait_indirect_dma semaphore(%arg16 : memref<!tpu.dma_semaphore, #tpu.memory_space<semaphore_mem>>) src(%dma_wait3A_242 : memref<100000x128xf32, #tpu.memory_space<hbm>>) dst(%dma_wait3A_236 : memref<128x128xf32, #tpu.memory_space<vmem>>)
    %dma_start3A_243 = arith.constant 1 : i32
    %dma_start3A_244 = arith.constant 1 : i32
    %dma_start3A_245 = arith.constant 0 : i32
    %dma_start3A_246 = arith.constant 0 : i32
    %dma_start3A_247 = tpu.memref_slice %arg14[%dma_start3A_243, %dma_start3A_245, %dma_start3A_246] : memref<7x128x128xf32, #tpu.memory_space<vmem>> -> memref<1x128x128xf32, #tpu.memory_space<vmem>>
    %dma_start3A_248 = tpu.memref_squeeze %dma_start3A_247 : memref<1x128x128xf32, #tpu.memory_space<vmem>> -> memref<128x128xf32, #tpu.memory_space<vmem>>
    %dma_start3A_249 = arith.constant 0 : i32
    %dma_start3A_250 = arith.constant 0 : i32
    %dma_start3A_251 = tpu.memref_slice %arg8[%add3A, %dma_start3A_244, %dma_start3A_249, %dma_start3A_250] : memref<32x4x128x128xf32, #tpu.memory_space<hbm>> -> memref<1x1x128x128xf32, #tpu.memory_space<hbm>>
    %dma_start3A_252 = tpu.memref_squeeze %dma_start3A_251 : memref<1x1x128x128xf32, #tpu.memory_space<hbm>> -> memref<128x128xf32, #tpu.memory_space<hbm>>
    %dma_start3A_253 = arith.constant 0 : i32
    %dma_start3A_254 = arith.constant 0 : i32
    %dma_start3A_255 = tpu.memref_slice %arg8[%add3A, %dma_start3A_244, %dma_start3A_253, %dma_start3A_254] : memref<32x4x128x128xf32, #tpu.memory_space<hbm>> -> memref<1x1x128x128xf32, #tpu.memory_space<hbm>>
    %dma_start3A_256 = tpu.memref_squeeze %dma_start3A_255 : memref<1x1x128x128xf32, #tpu.memory_space<hbm>> -> memref<128x128xf32, #tpu.memory_space<hbm>>
    %dma_start3A_257 = arith.constant 0 : i32
    %dma_start3A_258 = arith.constant 0 : i32
    %dma_start3A_259 = tpu.memref_slice %arg14[%dma_start3A_243, %dma_start3A_257, %dma_start3A_258] : memref<7x128x128xf32, #tpu.memory_space<vmem>> -> memref<1x128x128xf32, #tpu.memory_space<vmem>>
    %dma_start3A_260 = tpu.memref_squeeze %dma_start3A_259 : memref<1x128x128xf32, #tpu.memory_space<vmem>> -> memref<128x128xf32, #tpu.memory_space<vmem>>
    tpu.enqueue_dma source(%dma_start3A_260 : memref<128x128xf32, #tpu.memory_space<vmem>>) target(%dma_start3A_256 : memref<128x128xf32, #tpu.memory_space<hbm>>) target_semaphore(%arg17 : memref<!tpu.dma_semaphore, #tpu.memory_space<semaphore_mem>>)
    %dma_wait3A_261 = arith.constant 2 : i32
    %dma_wait3A_262 = arith.constant 2 : i32
    %dma_wait3A_263 = arith.constant 0 : i32
    %dma_wait3A_264 = arith.constant 0 : i32
    %dma_wait3A_265 = tpu.memref_slice %arg14[%dma_wait3A_262, %dma_wait3A_263, %dma_wait3A_264] : memref<7x128x128xf32, #tpu.memory_space<vmem>> -> memref<1x128x128xf32, #tpu.memory_space<vmem>>
    %dma_wait3A_266 = tpu.memref_squeeze %dma_wait3A_265 : memref<1x128x128xf32, #tpu.memory_space<vmem>> -> memref<128x128xf32, #tpu.memory_space<vmem>>
    %dma_wait3A_267 = arith.constant 0 : i32
    %dma_wait3A_268 = tpu.memref_slice %arg12[%dma_wait3A_261, %dma_wait3A_267] : memref<4x128xi32, #tpu.memory_space<vmem>> -> memref<1x128xi32, #tpu.memory_space<vmem>>
    %dma_wait3A_269 = tpu.memref_squeeze %dma_wait3A_268 : memref<1x128xi32, #tpu.memory_space<vmem>> -> memref<128xi32, #tpu.memory_space<vmem>>
    %dma_wait3A_270 = arith.constant 0 : i32
    %dma_wait3A_271 = arith.constant 0 : i32
    %dma_wait3A_272 = tpu.memref_slice %arg4[%dma_wait3A_270, %dma_wait3A_271] : memref<100000x128xf32, #tpu.memory_space<hbm>> -> memref<100000x128xf32, #tpu.memory_space<hbm>>
    tpu.wait_indirect_dma semaphore(%arg16 : memref<!tpu.dma_semaphore, #tpu.memory_space<semaphore_mem>>) src(%dma_wait3A_272 : memref<100000x128xf32, #tpu.memory_space<hbm>>) dst(%dma_wait3A_266 : memref<128x128xf32, #tpu.memory_space<vmem>>)
    %dma_start3A_273 = arith.constant 2 : i32
    %dma_start3A_274 = arith.constant 2 : i32
    %dma_start3A_275 = arith.constant 0 : i32
    %dma_start3A_276 = arith.constant 0 : i32
    %dma_start3A_277 = tpu.memref_slice %arg14[%dma_start3A_273, %dma_start3A_275, %dma_start3A_276] : memref<7x128x128xf32, #tpu.memory_space<vmem>> -> memref<1x128x128xf32, #tpu.memory_space<vmem>>
    %dma_start3A_278 = tpu.memref_squeeze %dma_start3A_277 : memref<1x128x128xf32, #tpu.memory_space<vmem>> -> memref<128x128xf32, #tpu.memory_space<vmem>>
    %dma_start3A_279 = arith.constant 0 : i32
    %dma_start3A_280 = arith.constant 0 : i32
    %dma_start3A_281 = tpu.memref_slice %arg8[%add3A, %dma_start3A_274, %dma_start3A_279, %dma_start3A_280] : memref<32x4x128x128xf32, #tpu.memory_space<hbm>> -> memref<1x1x128x128xf32, #tpu.memory_space<hbm>>
    %dma_start3A_282 = tpu.memref_squeeze %dma_start3A_281 : memref<1x1x128x128xf32, #tpu.memory_space<hbm>> -> memref<128x128xf32, #tpu.memory_space<hbm>>
    %dma_start3A_283 = arith.constant 0 : i32
    %dma_start3A_284 = arith.constant 0 : i32
    %dma_start3A_285 = tpu.memref_slice %arg8[%add3A, %dma_start3A_274, %dma_start3A_283, %dma_start3A_284] : memref<32x4x128x128xf32, #tpu.memory_space<hbm>> -> memref<1x1x128x128xf32, #tpu.memory_space<hbm>>
    %dma_start3A_286 = tpu.memref_squeeze %dma_start3A_285 : memref<1x1x128x128xf32, #tpu.memory_space<hbm>> -> memref<128x128xf32, #tpu.memory_space<hbm>>
    %dma_start3A_287 = arith.constant 0 : i32
    %dma_start3A_288 = arith.constant 0 : i32
    %dma_start3A_289 = tpu.memref_slice %arg14[%dma_start3A_273, %dma_start3A_287, %dma_start3A_288] : memref<7x128x128xf32, #tpu.memory_space<vmem>> -> memref<1x128x128xf32, #tpu.memory_space<vmem>>
    %dma_start3A_290 = tpu.memref_squeeze %dma_start3A_289 : memref<1x128x128xf32, #tpu.memory_space<vmem>> -> memref<128x128xf32, #tpu.memory_space<vmem>>
    tpu.enqueue_dma source(%dma_start3A_290 : memref<128x128xf32, #tpu.memory_space<vmem>>) target(%dma_start3A_286 : memref<128x128xf32, #tpu.memory_space<hbm>>) target_semaphore(%arg17 : memref<!tpu.dma_semaphore, #tpu.memory_space<semaphore_mem>>)
    %dma_wait3A_291 = arith.constant 3 : i32
    %dma_wait3A_292 = arith.constant 3 : i32
    %dma_wait3A_293 = arith.constant 0 : i32
    %dma_wait3A_294 = arith.constant 0 : i32
    %dma_wait3A_295 = tpu.memref_slice %arg14[%dma_wait3A_292, %dma_wait3A_293, %dma_wait3A_294] : memref<7x128x128xf32, #tpu.memory_space<vmem>> -> memref<1x128x128xf32, #tpu.memory_space<vmem>>
    %dma_wait3A_296 = tpu.memref_squeeze %dma_wait3A_295 : memref<1x128x128xf32, #tpu.memory_space<vmem>> -> memref<128x128xf32, #tpu.memory_space<vmem>>
    %dma_wait3A_297 = arith.constant 0 : i32
    %dma_wait3A_298 = tpu.memref_slice %arg12[%dma_wait3A_291, %dma_wait3A_297] : memref<4x128xi32, #tpu.memory_space<vmem>> -> memref<1x128xi32, #tpu.memory_space<vmem>>
    %dma_wait3A_299 = tpu.memref_squeeze %dma_wait3A_298 : memref<1x128xi32, #tpu.memory_space<vmem>> -> memref<128xi32, #tpu.memory_space<vmem>>
    %dma_wait3A_300 = arith.constant 0 : i32
    %dma_wait3A_301 = arith.constant 0 : i32
    %dma_wait3A_302 = tpu.memref_slice %arg4[%dma_wait3A_300, %dma_wait3A_301] : memref<100000x128xf32, #tpu.memory_space<hbm>> -> memref<100000x128xf32, #tpu.memory_space<hbm>>
    tpu.wait_indirect_dma semaphore(%arg16 : memref<!tpu.dma_semaphore, #tpu.memory_space<semaphore_mem>>) src(%dma_wait3A_302 : memref<100000x128xf32, #tpu.memory_space<hbm>>) dst(%dma_wait3A_296 : memref<128x128xf32, #tpu.memory_space<vmem>>)
    %dma_start3A_303 = arith.constant 3 : i32
    %dma_start3A_304 = arith.constant 3 : i32
    %dma_start3A_305 = arith.constant 0 : i32
    %dma_start3A_306 = arith.constant 0 : i32
    %dma_start3A_307 = tpu.memref_slice %arg14[%dma_start3A_303, %dma_start3A_305, %dma_start3A_306] : memref<7x128x128xf32, #tpu.memory_space<vmem>> -> memref<1x128x128xf32, #tpu.memory_space<vmem>>
    %dma_start3A_308 = tpu.memref_squeeze %dma_start3A_307 : memref<1x128x128xf32, #tpu.memory_space<vmem>> -> memref<128x128xf32, #tpu.memory_space<vmem>>
    %dma_start3A_309 = arith.constant 0 : i32
    %dma_start3A_310 = arith.constant 0 : i32
    %dma_start3A_311 = tpu.memref_slice %arg8[%add3A, %dma_start3A_304, %dma_start3A_309, %dma_start3A_310] : memref<32x4x128x128xf32, #tpu.memory_space<hbm>> -> memref<1x1x128x128xf32, #tpu.memory_space<hbm>>
    %dma_start3A_312 = tpu.memref_squeeze %dma_start3A_311 : memref<1x1x128x128xf32, #tpu.memory_space<hbm>> -> memref<128x128xf32, #tpu.memory_space<hbm>>
    %dma_start3A_313 = arith.constant 0 : i32
    %dma_start3A_314 = arith.constant 0 : i32
    %dma_start3A_315 = tpu.memref_slice %arg8[%add3A, %dma_start3A_304, %dma_start3A_313, %dma_start3A_314] : memref<32x4x128x128xf32, #tpu.memory_space<hbm>> -> memref<1x1x128x128xf32, #tpu.memory_space<hbm>>
    %dma_start3A_316 = tpu.memref_squeeze %dma_start3A_315 : memref<1x1x128x128xf32, #tpu.memory_space<hbm>> -> memref<128x128xf32, #tpu.memory_space<hbm>>
    %dma_start3A_317 = arith.constant 0 : i32
    %dma_start3A_318 = arith.constant 0 : i32
    %dma_start3A_319 = tpu.memref_slice %arg14[%dma_start3A_303, %dma_start3A_317, %dma_start3A_318] : memref<7x128x128xf32, #tpu.memory_space<vmem>> -> memref<1x128x128xf32, #tpu.memory_space<vmem>>
    %dma_start3A_320 = tpu.memref_squeeze %dma_start3A_319 : memref<1x128x128xf32, #tpu.memory_space<vmem>> -> memref<128x128xf32, #tpu.memory_space<vmem>>
    tpu.enqueue_dma source(%dma_start3A_320 : memref<128x128xf32, #tpu.memory_space<vmem>>) target(%dma_start3A_316 : memref<128x128xf32, #tpu.memory_space<hbm>>) target_semaphore(%arg17 : memref<!tpu.dma_semaphore, #tpu.memory_space<semaphore_mem>>)
    %dma_wait3A_321 = arith.constant 0 : i32
    %dma_wait3A_322 = arith.constant 4 : i32
    %dma_wait3A_323 = arith.constant 0 : i32
    %dma_wait3A_324 = arith.constant 0 : i32
    %dma_wait3A_325 = tpu.memref_slice %arg14[%dma_wait3A_322, %dma_wait3A_323, %dma_wait3A_324] : memref<7x128x128xf32, #tpu.memory_space<vmem>> -> memref<1x128x128xf32, #tpu.memory_space<vmem>>
    %dma_wait3A_326 = tpu.memref_squeeze %dma_wait3A_325 : memref<1x128x128xf32, #tpu.memory_space<vmem>> -> memref<128x128xf32, #tpu.memory_space<vmem>>
    %dma_wait3A_327 = arith.constant 0 : i32
    %dma_wait3A_328 = tpu.memref_slice %arg13[%dma_wait3A_321, %dma_wait3A_327] : memref<4x128xi32, #tpu.memory_space<vmem>> -> memref<1x128xi32, #tpu.memory_space<vmem>>
    %dma_wait3A_329 = tpu.memref_squeeze %dma_wait3A_328 : memref<1x128xi32, #tpu.memory_space<vmem>> -> memref<128xi32, #tpu.memory_space<vmem>>
    %dma_wait3A_330 = arith.constant 0 : i32
    %dma_wait3A_331 = arith.constant 0 : i32
    %dma_wait3A_332 = tpu.memref_slice %arg5[%dma_wait3A_330, %dma_wait3A_331] : memref<100000x128xf32, #tpu.memory_space<hbm>> -> memref<100000x128xf32, #tpu.memory_space<hbm>>
    tpu.wait_indirect_dma semaphore(%arg16 : memref<!tpu.dma_semaphore, #tpu.memory_space<semaphore_mem>>) src(%dma_wait3A_332 : memref<100000x128xf32, #tpu.memory_space<hbm>>) dst(%dma_wait3A_326 : memref<128x128xf32, #tpu.memory_space<vmem>>)
    %dma_start3A_333 = arith.constant 4 : i32
    %dma_start3A_334 = arith.constant 0 : i32
    %dma_start3A_335 = arith.constant 0 : i32
    %dma_start3A_336 = arith.constant 0 : i32
    %dma_start3A_337 = tpu.memref_slice %arg14[%dma_start3A_333, %dma_start3A_335, %dma_start3A_336] : memref<7x128x128xf32, #tpu.memory_space<vmem>> -> memref<1x128x128xf32, #tpu.memory_space<vmem>>
    %dma_start3A_338 = tpu.memref_squeeze %dma_start3A_337 : memref<1x128x128xf32, #tpu.memory_space<vmem>> -> memref<128x128xf32, #tpu.memory_space<vmem>>
    %dma_start3A_339 = arith.constant 0 : i32
    %dma_start3A_340 = arith.constant 0 : i32
    %dma_start3A_341 = tpu.memref_slice %arg9[%add3A, %dma_start3A_334, %dma_start3A_339, %dma_start3A_340] : memref<32x4x128x128xf32, #tpu.memory_space<hbm>> -> memref<1x1x128x128xf32, #tpu.memory_space<hbm>>
    %dma_start3A_342 = tpu.memref_squeeze %dma_start3A_341 : memref<1x1x128x128xf32, #tpu.memory_space<hbm>> -> memref<128x128xf32, #tpu.memory_space<hbm>>
    %dma_start3A_343 = arith.constant 0 : i32
    %dma_start3A_344 = arith.constant 0 : i32
    %dma_start3A_345 = tpu.memref_slice %arg9[%add3A, %dma_start3A_334, %dma_start3A_343, %dma_start3A_344] : memref<32x4x128x128xf32, #tpu.memory_space<hbm>> -> memref<1x1x128x128xf32, #tpu.memory_space<hbm>>
    %dma_start3A_346 = tpu.memref_squeeze %dma_start3A_345 : memref<1x1x128x128xf32, #tpu.memory_space<hbm>> -> memref<128x128xf32, #tpu.memory_space<hbm>>
    %dma_start3A_347 = arith.constant 0 : i32
    %dma_start3A_348 = arith.constant 0 : i32
    %dma_start3A_349 = tpu.memref_slice %arg14[%dma_start3A_333, %dma_start3A_347, %dma_start3A_348] : memref<7x128x128xf32, #tpu.memory_space<vmem>> -> memref<1x128x128xf32, #tpu.memory_space<vmem>>
    %dma_start3A_350 = tpu.memref_squeeze %dma_start3A_349 : memref<1x128x128xf32, #tpu.memory_space<vmem>> -> memref<128x128xf32, #tpu.memory_space<vmem>>
    tpu.enqueue_dma source(%dma_start3A_350 : memref<128x128xf32, #tpu.memory_space<vmem>>) target(%dma_start3A_346 : memref<128x128xf32, #tpu.memory_space<hbm>>) target_semaphore(%arg17 : memref<!tpu.dma_semaphore, #tpu.memory_space<semaphore_mem>>)
    %dma_wait3A_351 = arith.constant 1 : i32
    %dma_wait3A_352 = arith.constant 5 : i32
    %dma_wait3A_353 = arith.constant 0 : i32
    %dma_wait3A_354 = arith.constant 0 : i32
    %dma_wait3A_355 = tpu.memref_slice %arg14[%dma_wait3A_352, %dma_wait3A_353, %dma_wait3A_354] : memref<7x128x128xf32, #tpu.memory_space<vmem>> -> memref<1x128x128xf32, #tpu.memory_space<vmem>>
    %dma_wait3A_356 = tpu.memref_squeeze %dma_wait3A_355 : memref<1x128x128xf32, #tpu.memory_space<vmem>> -> memref<128x128xf32, #tpu.memory_space<vmem>>
    %dma_wait3A_357 = arith.constant 0 : i32
    %dma_wait3A_358 = tpu.memref_slice %arg13[%dma_wait3A_351, %dma_wait3A_357] : memref<4x128xi32, #tpu.memory_space<vmem>> -> memref<1x128xi32, #tpu.memory_space<vmem>>
    %dma_wait3A_359 = tpu.memref_squeeze %dma_wait3A_358 : memref<1x128xi32, #tpu.memory_space<vmem>> -> memref<128xi32, #tpu.memory_space<vmem>>
    %dma_wait3A_360 = arith.constant 0 : i32
    %dma_wait3A_361 = arith.constant 0 : i32
    %dma_wait3A_362 = tpu.memref_slice %arg5[%dma_wait3A_360, %dma_wait3A_361] : memref<100000x128xf32, #tpu.memory_space<hbm>> -> memref<100000x128xf32, #tpu.memory_space<hbm>>
    tpu.wait_indirect_dma semaphore(%arg16 : memref<!tpu.dma_semaphore, #tpu.memory_space<semaphore_mem>>) src(%dma_wait3A_362 : memref<100000x128xf32, #tpu.memory_space<hbm>>) dst(%dma_wait3A_356 : memref<128x128xf32, #tpu.memory_space<vmem>>)
    %dma_start3A_363 = arith.constant 5 : i32
    %dma_start3A_364 = arith.constant 1 : i32
    %dma_start3A_365 = arith.constant 0 : i32
    %dma_start3A_366 = arith.constant 0 : i32
    %dma_start3A_367 = tpu.memref_slice %arg14[%dma_start3A_363, %dma_start3A_365, %dma_start3A_366] : memref<7x128x128xf32, #tpu.memory_space<vmem>> -> memref<1x128x128xf32, #tpu.memory_space<vmem>>
    %dma_start3A_368 = tpu.memref_squeeze %dma_start3A_367 : memref<1x128x128xf32, #tpu.memory_space<vmem>> -> memref<128x128xf32, #tpu.memory_space<vmem>>
    %dma_start3A_369 = arith.constant 0 : i32
    %dma_start3A_370 = arith.constant 0 : i32
    %dma_start3A_371 = tpu.memref_slice %arg9[%add3A, %dma_start3A_364, %dma_start3A_369, %dma_start3A_370] : memref<32x4x128x128xf32, #tpu.memory_space<hbm>> -> memref<1x1x128x128xf32, #tpu.memory_space<hbm>>
    %dma_start3A_372 = tpu.memref_squeeze %dma_start3A_371 : memref<1x1x128x128xf32, #tpu.memory_space<hbm>> -> memref<128x128xf32, #tpu.memory_space<hbm>>
    %dma_start3A_373 = arith.constant 0 : i32
    %dma_start3A_374 = arith.constant 0 : i32
    %dma_start3A_375 = tpu.memref_slice %arg9[%add3A, %dma_start3A_364, %dma_start3A_373, %dma_start3A_374] : memref<32x4x128x128xf32, #tpu.memory_space<hbm>> -> memref<1x1x128x128xf32, #tpu.memory_space<hbm>>
    %dma_start3A_376 = tpu.memref_squeeze %dma_start3A_375 : memref<1x1x128x128xf32, #tpu.memory_space<hbm>> -> memref<128x128xf32, #tpu.memory_space<hbm>>
    %dma_start3A_377 = arith.constant 0 : i32
    %dma_start3A_378 = arith.constant 0 : i32
    %dma_start3A_379 = tpu.memref_slice %arg14[%dma_start3A_363, %dma_start3A_377, %dma_start3A_378] : memref<7x128x128xf32, #tpu.memory_space<vmem>> -> memref<1x128x128xf32, #tpu.memory_space<vmem>>
    %dma_start3A_380 = tpu.memref_squeeze %dma_start3A_379 : memref<1x128x128xf32, #tpu.memory_space<vmem>> -> memref<128x128xf32, #tpu.memory_space<vmem>>
    tpu.enqueue_dma source(%dma_start3A_380 : memref<128x128xf32, #tpu.memory_space<vmem>>) target(%dma_start3A_376 : memref<128x128xf32, #tpu.memory_space<hbm>>) target_semaphore(%arg17 : memref<!tpu.dma_semaphore, #tpu.memory_space<semaphore_mem>>)
    %dma_wait3A_381 = arith.constant 2 : i32
    %dma_wait3A_382 = arith.constant 6 : i32
    %dma_wait3A_383 = arith.constant 0 : i32
    %dma_wait3A_384 = arith.constant 0 : i32
    %dma_wait3A_385 = tpu.memref_slice %arg14[%dma_wait3A_382, %dma_wait3A_383, %dma_wait3A_384] : memref<7x128x128xf32, #tpu.memory_space<vmem>> -> memref<1x128x128xf32, #tpu.memory_space<vmem>>
    %dma_wait3A_386 = tpu.memref_squeeze %dma_wait3A_385 : memref<1x128x128xf32, #tpu.memory_space<vmem>> -> memref<128x128xf32, #tpu.memory_space<vmem>>
    %dma_wait3A_387 = arith.constant 0 : i32
    %dma_wait3A_388 = tpu.memref_slice %arg13[%dma_wait3A_381, %dma_wait3A_387] : memref<4x128xi32, #tpu.memory_space<vmem>> -> memref<1x128xi32, #tpu.memory_space<vmem>>
    %dma_wait3A_389 = tpu.memref_squeeze %dma_wait3A_388 : memref<1x128xi32, #tpu.memory_space<vmem>> -> memref<128xi32, #tpu.memory_space<vmem>>
    %dma_wait3A_390 = arith.constant 0 : i32
    %dma_wait3A_391 = arith.constant 0 : i32
    %dma_wait3A_392 = tpu.memref_slice %arg5[%dma_wait3A_390, %dma_wait3A_391] : memref<100000x128xf32, #tpu.memory_space<hbm>> -> memref<100000x128xf32, #tpu.memory_space<hbm>>
    tpu.wait_indirect_dma semaphore(%arg16 : memref<!tpu.dma_semaphore, #tpu.memory_space<semaphore_mem>>) src(%dma_wait3A_392 : memref<100000x128xf32, #tpu.memory_space<hbm>>) dst(%dma_wait3A_386 : memref<128x128xf32, #tpu.memory_space<vmem>>)
    %dma_start3A_393 = arith.constant 6 : i32
    %dma_start3A_394 = arith.constant 2 : i32
    %dma_start3A_395 = arith.constant 0 : i32
    %dma_start3A_396 = arith.constant 0 : i32
    %dma_start3A_397 = tpu.memref_slice %arg14[%dma_start3A_393, %dma_start3A_395, %dma_start3A_396] : memref<7x128x128xf32, #tpu.memory_space<vmem>> -> memref<1x128x128xf32, #tpu.memory_space<vmem>>
    %dma_start3A_398 = tpu.memref_squeeze %dma_start3A_397 : memref<1x128x128xf32, #tpu.memory_space<vmem>> -> memref<128x128xf32, #tpu.memory_space<vmem>>
    %dma_start3A_399 = arith.constant 0 : i32
    %dma_start3A_400 = arith.constant 0 : i32
    %dma_start3A_401 = tpu.memref_slice %arg9[%add3A, %dma_start3A_394, %dma_start3A_399, %dma_start3A_400] : memref<32x4x128x128xf32, #tpu.memory_space<hbm>> -> memref<1x1x128x128xf32, #tpu.memory_space<hbm>>
    %dma_start3A_402 = tpu.memref_squeeze %dma_start3A_401 : memref<1x1x128x128xf32, #tpu.memory_space<hbm>> -> memref<128x128xf32, #tpu.memory_space<hbm>>
    %dma_start3A_403 = arith.constant 0 : i32
    %dma_start3A_404 = arith.constant 0 : i32
    %dma_start3A_405 = tpu.memref_slice %arg9[%add3A, %dma_start3A_394, %dma_start3A_403, %dma_start3A_404] : memref<32x4x128x128xf32, #tpu.memory_space<hbm>> -> memref<1x1x128x128xf32, #tpu.memory_space<hbm>>
    %dma_start3A_406 = tpu.memref_squeeze %dma_start3A_405 : memref<1x1x128x128xf32, #tpu.memory_space<hbm>> -> memref<128x128xf32, #tpu.memory_space<hbm>>
    %dma_start3A_407 = arith.constant 0 : i32
    %dma_start3A_408 = arith.constant 0 : i32
    %dma_start3A_409 = tpu.memref_slice %arg14[%dma_start3A_393, %dma_start3A_407, %dma_start3A_408] : memref<7x128x128xf32, #tpu.memory_space<vmem>> -> memref<1x128x128xf32, #tpu.memory_space<vmem>>
    %dma_start3A_410 = tpu.memref_squeeze %dma_start3A_409 : memref<1x128x128xf32, #tpu.memory_space<vmem>> -> memref<128x128xf32, #tpu.memory_space<vmem>>
    tpu.enqueue_dma source(%dma_start3A_410 : memref<128x128xf32, #tpu.memory_space<vmem>>) target(%dma_start3A_406 : memref<128x128xf32, #tpu.memory_space<hbm>>) target_semaphore(%arg17 : memref<!tpu.dma_semaphore, #tpu.memory_space<semaphore_mem>>)
    %dma_wait3A_411 = arith.constant 3 : i32
    %dma_wait3A_412 = arith.constant 0 : i32
    %dma_wait3A_413 = arith.constant 0 : i32
    %dma_wait3A_414 = arith.constant 0 : i32
    %dma_wait3A_415 = tpu.memref_slice %arg14[%dma_wait3A_412, %dma_wait3A_413, %dma_wait3A_414] : memref<7x128x128xf32, #tpu.memory_space<vmem>> -> memref<1x128x128xf32, #tpu.memory_space<vmem>>
    %dma_wait3A_416 = tpu.memref_squeeze %dma_wait3A_415 : memref<1x128x128xf32, #tpu.memory_space<vmem>> -> memref<128x128xf32, #tpu.memory_space<vmem>>
    %dma_wait3A_417 = arith.constant 0 : i32
    %dma_wait3A_418 = tpu.memref_slice %arg13[%dma_wait3A_411, %dma_wait3A_417] : memref<4x128xi32, #tpu.memory_space<vmem>> -> memref<1x128xi32, #tpu.memory_space<vmem>>
    %dma_wait3A_419 = tpu.memref_squeeze %dma_wait3A_418 : memref<1x128xi32, #tpu.memory_space<vmem>> -> memref<128xi32, #tpu.memory_space<vmem>>
    %dma_wait3A_420 = arith.constant 0 : i32
    %dma_wait3A_421 = arith.constant 0 : i32
    %dma_wait3A_422 = tpu.memref_slice %arg5[%dma_wait3A_420, %dma_wait3A_421] : memref<100000x128xf32, #tpu.memory_space<hbm>> -> memref<100000x128xf32, #tpu.memory_space<hbm>>
    tpu.wait_indirect_dma semaphore(%arg16 : memref<!tpu.dma_semaphore, #tpu.memory_space<semaphore_mem>>) src(%dma_wait3A_422 : memref<100000x128xf32, #tpu.memory_space<hbm>>) dst(%dma_wait3A_416 : memref<128x128xf32, #tpu.memory_space<vmem>>)
    %dma_start3A_423 = arith.constant 0 : i32
    %dma_start3A_424 = arith.constant 3 : i32
    %dma_start3A_425 = arith.constant 0 : i32
    %dma_start3A_426 = arith.constant 0 : i32
    %dma_start3A_427 = tpu.memref_slice %arg14[%dma_start3A_423, %dma_start3A_425, %dma_start3A_426] : memref<7x128x128xf32, #tpu.memory_space<vmem>> -> memref<1x128x128xf32, #tpu.memory_space<vmem>>
    %dma_start3A_428 = tpu.memref_squeeze %dma_start3A_427 : memref<1x128x128xf32, #tpu.memory_space<vmem>> -> memref<128x128xf32, #tpu.memory_space<vmem>>
    %dma_start3A_429 = arith.constant 0 : i32
    %dma_start3A_430 = arith.constant 0 : i32
    %dma_start3A_431 = tpu.memref_slice %arg9[%add3A, %dma_start3A_424, %dma_start3A_429, %dma_start3A_430] : memref<32x4x128x128xf32, #tpu.memory_space<hbm>> -> memref<1x1x128x128xf32, #tpu.memory_space<hbm>>
    %dma_start3A_432 = tpu.memref_squeeze %dma_start3A_431 : memref<1x1x128x128xf32, #tpu.memory_space<hbm>> -> memref<128x128xf32, #tpu.memory_space<hbm>>
    %dma_start3A_433 = arith.constant 0 : i32
    %dma_start3A_434 = arith.constant 0 : i32
    %dma_start3A_435 = tpu.memref_slice %arg9[%add3A, %dma_start3A_424, %dma_start3A_433, %dma_start3A_434] : memref<32x4x128x128xf32, #tpu.memory_space<hbm>> -> memref<1x1x128x128xf32, #tpu.memory_space<hbm>>
    %dma_start3A_436 = tpu.memref_squeeze %dma_start3A_435 : memref<1x1x128x128xf32, #tpu.memory_space<hbm>> -> memref<128x128xf32, #tpu.memory_space<hbm>>
    %dma_start3A_437 = arith.constant 0 : i32
    %dma_start3A_438 = arith.constant 0 : i32
    %dma_start3A_439 = tpu.memref_slice %arg14[%dma_start3A_423, %dma_start3A_437, %dma_start3A_438] : memref<7x128x128xf32, #tpu.memory_space<vmem>> -> memref<1x128x128xf32, #tpu.memory_space<vmem>>
    %dma_start3A_440 = tpu.memref_squeeze %dma_start3A_439 : memref<1x128x128xf32, #tpu.memory_space<vmem>> -> memref<128x128xf32, #tpu.memory_space<vmem>>
    tpu.enqueue_dma source(%dma_start3A_440 : memref<128x128xf32, #tpu.memory_space<vmem>>) target(%dma_start3A_436 : memref<128x128xf32, #tpu.memory_space<hbm>>) target_semaphore(%arg17 : memref<!tpu.dma_semaphore, #tpu.memory_space<semaphore_mem>>)
    %dma_wait3A_441 = arith.constant 0 : i32
    %dma_wait3A_442 = arith.constant 0 : i32
    %dma_wait3A_443 = arith.constant 0 : i32
    %dma_wait3A_444 = arith.constant 0 : i32
    %dma_wait3A_445 = tpu.memref_slice %arg15[%dma_wait3A_442, %dma_wait3A_443, %dma_wait3A_444] : memref<2x4x128xf32, #tpu.memory_space<vmem>> -> memref<1x1x128xf32, #tpu.memory_space<vmem>>
    %dma_wait3A_446 = tpu.memref_squeeze %dma_wait3A_445 : memref<1x1x128xf32, #tpu.memory_space<vmem>> -> memref<128xf32, #tpu.memory_space<vmem>>
    %dma_wait3A_447 = arith.constant 0 : i32
    %dma_wait3A_448 = tpu.memref_slice %arg12[%dma_wait3A_441, %dma_wait3A_447] : memref<4x128xi32, #tpu.memory_space<vmem>> -> memref<1x128xi32, #tpu.memory_space<vmem>>
    %dma_wait3A_449 = tpu.memref_squeeze %dma_wait3A_448 : memref<1x128xi32, #tpu.memory_space<vmem>> -> memref<128xi32, #tpu.memory_space<vmem>>
    %dma_wait3A_450 = arith.constant 0 : i32
    %dma_wait3A_451 = tpu.memref_slice %arg6[%dma_wait3A_450] : memref<100000xf32, #tpu.memory_space<hbm>> -> memref<100000xf32, #tpu.memory_space<hbm>>
    tpu.wait_indirect_dma semaphore(%arg18 : memref<!tpu.dma_semaphore, #tpu.memory_space<semaphore_mem>>) src(%dma_wait3A_451 : memref<100000xf32, #tpu.memory_space<hbm>>) dst(%dma_wait3A_446 : memref<128xf32, #tpu.memory_space<vmem>>)
    %dma_wait3A_452 = arith.constant 1 : i32
    %dma_wait3A_453 = arith.constant 0 : i32
    %dma_wait3A_454 = arith.constant 1 : i32
    %dma_wait3A_455 = arith.constant 0 : i32
    %dma_wait3A_456 = tpu.memref_slice %arg15[%dma_wait3A_453, %dma_wait3A_454, %dma_wait3A_455] : memref<2x4x128xf32, #tpu.memory_space<vmem>> -> memref<1x1x128xf32, #tpu.memory_space<vmem>>
    %dma_wait3A_457 = tpu.memref_squeeze %dma_wait3A_456 : memref<1x1x128xf32, #tpu.memory_space<vmem>> -> memref<128xf32, #tpu.memory_space<vmem>>
    %dma_wait3A_458 = arith.constant 0 : i32
    %dma_wait3A_459 = tpu.memref_slice %arg12[%dma_wait3A_452, %dma_wait3A_458] : memref<4x128xi32, #tpu.memory_space<vmem>> -> memref<1x128xi32, #tpu.memory_space<vmem>>
    %dma_wait3A_460 = tpu.memref_squeeze %dma_wait3A_459 : memref<1x128xi32, #tpu.memory_space<vmem>> -> memref<128xi32, #tpu.memory_space<vmem>>
    %dma_wait3A_461 = arith.constant 0 : i32
    %dma_wait3A_462 = tpu.memref_slice %arg6[%dma_wait3A_461] : memref<100000xf32, #tpu.memory_space<hbm>> -> memref<100000xf32, #tpu.memory_space<hbm>>
    tpu.wait_indirect_dma semaphore(%arg18 : memref<!tpu.dma_semaphore, #tpu.memory_space<semaphore_mem>>) src(%dma_wait3A_462 : memref<100000xf32, #tpu.memory_space<hbm>>) dst(%dma_wait3A_457 : memref<128xf32, #tpu.memory_space<vmem>>)
    %dma_wait3A_463 = arith.constant 2 : i32
    %dma_wait3A_464 = arith.constant 0 : i32
    %dma_wait3A_465 = arith.constant 2 : i32
    %dma_wait3A_466 = arith.constant 0 : i32
    %dma_wait3A_467 = tpu.memref_slice %arg15[%dma_wait3A_464, %dma_wait3A_465, %dma_wait3A_466] : memref<2x4x128xf32, #tpu.memory_space<vmem>> -> memref<1x1x128xf32, #tpu.memory_space<vmem>>
    %dma_wait3A_468 = tpu.memref_squeeze %dma_wait3A_467 : memref<1x1x128xf32, #tpu.memory_space<vmem>> -> memref<128xf32, #tpu.memory_space<vmem>>
    %dma_wait3A_469 = arith.constant 0 : i32
    %dma_wait3A_470 = tpu.memref_slice %arg12[%dma_wait3A_463, %dma_wait3A_469] : memref<4x128xi32, #tpu.memory_space<vmem>> -> memref<1x128xi32, #tpu.memory_space<vmem>>
    %dma_wait3A_471 = tpu.memref_squeeze %dma_wait3A_470 : memref<1x128xi32, #tpu.memory_space<vmem>> -> memref<128xi32, #tpu.memory_space<vmem>>
    %dma_wait3A_472 = arith.constant 0 : i32
    %dma_wait3A_473 = tpu.memref_slice %arg6[%dma_wait3A_472] : memref<100000xf32, #tpu.memory_space<hbm>> -> memref<100000xf32, #tpu.memory_space<hbm>>
    tpu.wait_indirect_dma semaphore(%arg18 : memref<!tpu.dma_semaphore, #tpu.memory_space<semaphore_mem>>) src(%dma_wait3A_473 : memref<100000xf32, #tpu.memory_space<hbm>>) dst(%dma_wait3A_468 : memref<128xf32, #tpu.memory_space<vmem>>)
    %dma_wait3A_474 = arith.constant 3 : i32
    %dma_wait3A_475 = arith.constant 0 : i32
    %dma_wait3A_476 = arith.constant 3 : i32
    %dma_wait3A_477 = arith.constant 0 : i32
    %dma_wait3A_478 = tpu.memref_slice %arg15[%dma_wait3A_475, %dma_wait3A_476, %dma_wait3A_477] : memref<2x4x128xf32, #tpu.memory_space<vmem>> -> memref<1x1x128xf32, #tpu.memory_space<vmem>>
    %dma_wait3A_479 = tpu.memref_squeeze %dma_wait3A_478 : memref<1x1x128xf32, #tpu.memory_space<vmem>> -> memref<128xf32, #tpu.memory_space<vmem>>
    %dma_wait3A_480 = arith.constant 0 : i32
    %dma_wait3A_481 = tpu.memref_slice %arg12[%dma_wait3A_474, %dma_wait3A_480] : memref<4x128xi32, #tpu.memory_space<vmem>> -> memref<1x128xi32, #tpu.memory_space<vmem>>
    %dma_wait3A_482 = tpu.memref_squeeze %dma_wait3A_481 : memref<1x128xi32, #tpu.memory_space<vmem>> -> memref<128xi32, #tpu.memory_space<vmem>>
    %dma_wait3A_483 = arith.constant 0 : i32
    %dma_wait3A_484 = tpu.memref_slice %arg6[%dma_wait3A_483] : memref<100000xf32, #tpu.memory_space<hbm>> -> memref<100000xf32, #tpu.memory_space<hbm>>
    tpu.wait_indirect_dma semaphore(%arg18 : memref<!tpu.dma_semaphore, #tpu.memory_space<semaphore_mem>>) src(%dma_wait3A_484 : memref<100000xf32, #tpu.memory_space<hbm>>) dst(%dma_wait3A_479 : memref<128xf32, #tpu.memory_space<vmem>>)
    %dma_wait3A_485 = arith.constant 0 : i32
    %dma_wait3A_486 = arith.constant 1 : i32
    %dma_wait3A_487 = arith.constant 0 : i32
    %dma_wait3A_488 = arith.constant 0 : i32
    %dma_wait3A_489 = tpu.memref_slice %arg15[%dma_wait3A_486, %dma_wait3A_487, %dma_wait3A_488] : memref<2x4x128xf32, #tpu.memory_space<vmem>> -> memref<1x1x128xf32, #tpu.memory_space<vmem>>
    %dma_wait3A_490 = tpu.memref_squeeze %dma_wait3A_489 : memref<1x1x128xf32, #tpu.memory_space<vmem>> -> memref<128xf32, #tpu.memory_space<vmem>>
    %dma_wait3A_491 = arith.constant 0 : i32
    %dma_wait3A_492 = tpu.memref_slice %arg13[%dma_wait3A_485, %dma_wait3A_491] : memref<4x128xi32, #tpu.memory_space<vmem>> -> memref<1x128xi32, #tpu.memory_space<vmem>>
    %dma_wait3A_493 = tpu.memref_squeeze %dma_wait3A_492 : memref<1x128xi32, #tpu.memory_space<vmem>> -> memref<128xi32, #tpu.memory_space<vmem>>
    %dma_wait3A_494 = arith.constant 0 : i32
    %dma_wait3A_495 = tpu.memref_slice %arg7[%dma_wait3A_494] : memref<100000xf32, #tpu.memory_space<hbm>> -> memref<100000xf32, #tpu.memory_space<hbm>>
    tpu.wait_indirect_dma semaphore(%arg18 : memref<!tpu.dma_semaphore, #tpu.memory_space<semaphore_mem>>) src(%dma_wait3A_495 : memref<100000xf32, #tpu.memory_space<hbm>>) dst(%dma_wait3A_490 : memref<128xf32, #tpu.memory_space<vmem>>)
    %dma_wait3A_496 = arith.constant 1 : i32
    %dma_wait3A_497 = arith.constant 1 : i32
    %dma_wait3A_498 = arith.constant 1 : i32
    %dma_wait3A_499 = arith.constant 0 : i32
    %dma_wait3A_500 = tpu.memref_slice %arg15[%dma_wait3A_497, %dma_wait3A_498, %dma_wait3A_499] : memref<2x4x128xf32, #tpu.memory_space<vmem>> -> memref<1x1x128xf32, #tpu.memory_space<vmem>>
    %dma_wait3A_501 = tpu.memref_squeeze %dma_wait3A_500 : memref<1x1x128xf32, #tpu.memory_space<vmem>> -> memref<128xf32, #tpu.memory_space<vmem>>
    %dma_wait3A_502 = arith.constant 0 : i32
    %dma_wait3A_503 = tpu.memref_slice %arg13[%dma_wait3A_496, %dma_wait3A_502] : memref<4x128xi32, #tpu.memory_space<vmem>> -> memref<1x128xi32, #tpu.memory_space<vmem>>
    %dma_wait3A_504 = tpu.memref_squeeze %dma_wait3A_503 : memref<1x128xi32, #tpu.memory_space<vmem>> -> memref<128xi32, #tpu.memory_space<vmem>>
    %dma_wait3A_505 = arith.constant 0 : i32
    %dma_wait3A_506 = tpu.memref_slice %arg7[%dma_wait3A_505] : memref<100000xf32, #tpu.memory_space<hbm>> -> memref<100000xf32, #tpu.memory_space<hbm>>
    tpu.wait_indirect_dma semaphore(%arg18 : memref<!tpu.dma_semaphore, #tpu.memory_space<semaphore_mem>>) src(%dma_wait3A_506 : memref<100000xf32, #tpu.memory_space<hbm>>) dst(%dma_wait3A_501 : memref<128xf32, #tpu.memory_space<vmem>>)
    %dma_wait3A_507 = arith.constant 2 : i32
    %dma_wait3A_508 = arith.constant 1 : i32
    %dma_wait3A_509 = arith.constant 2 : i32
    %dma_wait3A_510 = arith.constant 0 : i32
    %dma_wait3A_511 = tpu.memref_slice %arg15[%dma_wait3A_508, %dma_wait3A_509, %dma_wait3A_510] : memref<2x4x128xf32, #tpu.memory_space<vmem>> -> memref<1x1x128xf32, #tpu.memory_space<vmem>>
    %dma_wait3A_512 = tpu.memref_squeeze %dma_wait3A_511 : memref<1x1x128xf32, #tpu.memory_space<vmem>> -> memref<128xf32, #tpu.memory_space<vmem>>
    %dma_wait3A_513 = arith.constant 0 : i32
    %dma_wait3A_514 = tpu.memref_slice %arg13[%dma_wait3A_507, %dma_wait3A_513] : memref<4x128xi32, #tpu.memory_space<vmem>> -> memref<1x128xi32, #tpu.memory_space<vmem>>
    %dma_wait3A_515 = tpu.memref_squeeze %dma_wait3A_514 : memref<1x128xi32, #tpu.memory_space<vmem>> -> memref<128xi32, #tpu.memory_space<vmem>>
    %dma_wait3A_516 = arith.constant 0 : i32
    %dma_wait3A_517 = tpu.memref_slice %arg7[%dma_wait3A_516] : memref<100000xf32, #tpu.memory_space<hbm>> -> memref<100000xf32, #tpu.memory_space<hbm>>
    tpu.wait_indirect_dma semaphore(%arg18 : memref<!tpu.dma_semaphore, #tpu.memory_space<semaphore_mem>>) src(%dma_wait3A_517 : memref<100000xf32, #tpu.memory_space<hbm>>) dst(%dma_wait3A_512 : memref<128xf32, #tpu.memory_space<vmem>>)
    %dma_wait3A_518 = arith.constant 3 : i32
    %dma_wait3A_519 = arith.constant 1 : i32
    %dma_wait3A_520 = arith.constant 3 : i32
    %dma_wait3A_521 = arith.constant 0 : i32
    %dma_wait3A_522 = tpu.memref_slice %arg15[%dma_wait3A_519, %dma_wait3A_520, %dma_wait3A_521] : memref<2x4x128xf32, #tpu.memory_space<vmem>> -> memref<1x1x128xf32, #tpu.memory_space<vmem>>
    %dma_wait3A_523 = tpu.memref_squeeze %dma_wait3A_522 : memref<1x1x128xf32, #tpu.memory_space<vmem>> -> memref<128xf32, #tpu.memory_space<vmem>>
    %dma_wait3A_524 = arith.constant 0 : i32
    %dma_wait3A_525 = tpu.memref_slice %arg13[%dma_wait3A_518, %dma_wait3A_524] : memref<4x128xi32, #tpu.memory_space<vmem>> -> memref<1x128xi32, #tpu.memory_space<vmem>>
    %dma_wait3A_526 = tpu.memref_squeeze %dma_wait3A_525 : memref<1x128xi32, #tpu.memory_space<vmem>> -> memref<128xi32, #tpu.memory_space<vmem>>
    %dma_wait3A_527 = arith.constant 0 : i32
    %dma_wait3A_528 = tpu.memref_slice %arg7[%dma_wait3A_527] : memref<100000xf32, #tpu.memory_space<hbm>> -> memref<100000xf32, #tpu.memory_space<hbm>>
    tpu.wait_indirect_dma semaphore(%arg18 : memref<!tpu.dma_semaphore, #tpu.memory_space<semaphore_mem>>) src(%dma_wait3A_528 : memref<100000xf32, #tpu.memory_space<hbm>>) dst(%dma_wait3A_523 : memref<128xf32, #tpu.memory_space<vmem>>)
    %dma_start3A_529 = arith.constant 0 : i32
    %dma_start3A_530 = arith.constant 0 : i32
    %dma_start3A_531 = arith.constant 0 : i32
    %dma_start3A_532 = tpu.memref_slice %arg15[%dma_start3A_529, %dma_start3A_530, %dma_start3A_531] : memref<2x4x128xf32, #tpu.memory_space<vmem>> -> memref<1x4x128xf32, #tpu.memory_space<vmem>>
    %dma_start3A_533 = tpu.memref_squeeze %dma_start3A_532 : memref<1x4x128xf32, #tpu.memory_space<vmem>> -> memref<4x128xf32, #tpu.memory_space<vmem>>
    %dma_start3A_534 = arith.constant 0 : i32
    %dma_start3A_535 = arith.constant 0 : i32
    %dma_start3A_536 = tpu.memref_slice %arg10[%add3A, %dma_start3A_534, %dma_start3A_535] : memref<32x4x128xf32, #tpu.memory_space<hbm>> -> memref<1x4x128xf32, #tpu.memory_space<hbm>>
    %dma_start3A_537 = tpu.memref_squeeze %dma_start3A_536 : memref<1x4x128xf32, #tpu.memory_space<hbm>> -> memref<4x128xf32, #tpu.memory_space<hbm>>
    %dma_start3A_538 = arith.constant 0 : i32
    %dma_start3A_539 = arith.constant 0 : i32
    %dma_start3A_540 = tpu.memref_slice %arg10[%add3A, %dma_start3A_538, %dma_start3A_539] : memref<32x4x128xf32, #tpu.memory_space<hbm>> -> memref<1x4x128xf32, #tpu.memory_space<hbm>>
    %dma_start3A_541 = tpu.memref_squeeze %dma_start3A_540 : memref<1x4x128xf32, #tpu.memory_space<hbm>> -> memref<4x128xf32, #tpu.memory_space<hbm>>
    %dma_start3A_542 = arith.constant 0 : i32
    %dma_start3A_543 = arith.constant 0 : i32
    %dma_start3A_544 = tpu.memref_slice %arg15[%dma_start3A_529, %dma_start3A_542, %dma_start3A_543] : memref<2x4x128xf32, #tpu.memory_space<vmem>> -> memref<1x4x128xf32, #tpu.memory_space<vmem>>
    %dma_start3A_545 = tpu.memref_squeeze %dma_start3A_544 : memref<1x4x128xf32, #tpu.memory_space<vmem>> -> memref<4x128xf32, #tpu.memory_space<vmem>>
    tpu.enqueue_dma source(%dma_start3A_545 : memref<4x128xf32, #tpu.memory_space<vmem>>) target(%dma_start3A_541 : memref<4x128xf32, #tpu.memory_space<hbm>>) target_semaphore(%arg18 : memref<!tpu.dma_semaphore, #tpu.memory_space<semaphore_mem>>)
    %dma_start3A_546 = arith.constant 1 : i32
    %dma_start3A_547 = arith.constant 0 : i32
    %dma_start3A_548 = arith.constant 0 : i32
    %dma_start3A_549 = tpu.memref_slice %arg15[%dma_start3A_546, %dma_start3A_547, %dma_start3A_548] : memref<2x4x128xf32, #tpu.memory_space<vmem>> -> memref<1x4x128xf32, #tpu.memory_space<vmem>>
    %dma_start3A_550 = tpu.memref_squeeze %dma_start3A_549 : memref<1x4x128xf32, #tpu.memory_space<vmem>> -> memref<4x128xf32, #tpu.memory_space<vmem>>
    %dma_start3A_551 = arith.constant 0 : i32
    %dma_start3A_552 = arith.constant 0 : i32
    %dma_start3A_553 = tpu.memref_slice %arg11[%add3A, %dma_start3A_551, %dma_start3A_552] : memref<32x4x128xf32, #tpu.memory_space<hbm>> -> memref<1x4x128xf32, #tpu.memory_space<hbm>>
    %dma_start3A_554 = tpu.memref_squeeze %dma_start3A_553 : memref<1x4x128xf32, #tpu.memory_space<hbm>> -> memref<4x128xf32, #tpu.memory_space<hbm>>
    %dma_start3A_555 = arith.constant 0 : i32
    %dma_start3A_556 = arith.constant 0 : i32
    %dma_start3A_557 = tpu.memref_slice %arg11[%add3A, %dma_start3A_555, %dma_start3A_556] : memref<32x4x128xf32, #tpu.memory_space<hbm>> -> memref<1x4x128xf32, #tpu.memory_space<hbm>>
    %dma_start3A_558 = tpu.memref_squeeze %dma_start3A_557 : memref<1x4x128xf32, #tpu.memory_space<hbm>> -> memref<4x128xf32, #tpu.memory_space<hbm>>
    %dma_start3A_559 = arith.constant 0 : i32
    %dma_start3A_560 = arith.constant 0 : i32
    %dma_start3A_561 = tpu.memref_slice %arg15[%dma_start3A_546, %dma_start3A_559, %dma_start3A_560] : memref<2x4x128xf32, #tpu.memory_space<vmem>> -> memref<1x4x128xf32, #tpu.memory_space<vmem>>
    %dma_start3A_562 = tpu.memref_squeeze %dma_start3A_561 : memref<1x4x128xf32, #tpu.memory_space<vmem>> -> memref<4x128xf32, #tpu.memory_space<vmem>>
    tpu.enqueue_dma source(%dma_start3A_562 : memref<4x128xf32, #tpu.memory_space<vmem>>) target(%dma_start3A_558 : memref<4x128xf32, #tpu.memory_space<hbm>>) target_semaphore(%arg18 : memref<!tpu.dma_semaphore, #tpu.memory_space<semaphore_mem>>)
    %dma_wait3A_563 = arith.constant 1 : i32
    %dma_wait3A_564 = arith.constant 1 : i32
    %dma_wait3A_565 = arith.constant 0 : i32
    %dma_wait3A_566 = arith.constant 0 : i32
    %dma_wait3A_567 = tpu.memref_slice %arg14[%dma_wait3A_563, %dma_wait3A_565, %dma_wait3A_566] : memref<7x128x128xf32, #tpu.memory_space<vmem>> -> memref<1x128x128xf32, #tpu.memory_space<vmem>>
    %dma_wait3A_568 = tpu.memref_squeeze %dma_wait3A_567 : memref<1x128x128xf32, #tpu.memory_space<vmem>> -> memref<128x128xf32, #tpu.memory_space<vmem>>
    %dma_wait3A_569 = arith.constant 0 : i32
    %dma_wait3A_570 = arith.constant 0 : i32
    %dma_wait3A_571 = tpu.memref_slice %arg8[%add3A, %dma_wait3A_564, %dma_wait3A_569, %dma_wait3A_570] : memref<32x4x128x128xf32, #tpu.memory_space<hbm>> -> memref<1x1x128x128xf32, #tpu.memory_space<hbm>>
    %dma_wait3A_572 = tpu.memref_squeeze %dma_wait3A_571 : memref<1x1x128x128xf32, #tpu.memory_space<hbm>> -> memref<128x128xf32, #tpu.memory_space<hbm>>
    %dma_wait3A_573 = arith.constant 0 : i32
    %dma_wait3A_574 = arith.constant 0 : i32
    %dma_wait3A_575 = tpu.memref_slice %arg8[%add3A, %dma_wait3A_564, %dma_wait3A_573, %dma_wait3A_574] : memref<32x4x128x128xf32, #tpu.memory_space<hbm>> -> memref<1x1x128x128xf32, #tpu.memory_space<hbm>>
    %dma_wait3A_576 = tpu.memref_squeeze %dma_wait3A_575 : memref<1x1x128x128xf32, #tpu.memory_space<hbm>> -> memref<128x128xf32, #tpu.memory_space<hbm>>
    %dma_wait3A_577 = arith.constant 0 : i32
    %dma_wait3A_578 = arith.constant 0 : i32
    %dma_wait3A_579 = tpu.memref_slice %arg14[%dma_wait3A_563, %dma_wait3A_577, %dma_wait3A_578] : memref<7x128x128xf32, #tpu.memory_space<vmem>> -> memref<1x128x128xf32, #tpu.memory_space<vmem>>
    %dma_wait3A_580 = tpu.memref_squeeze %dma_wait3A_579 : memref<1x128x128xf32, #tpu.memory_space<vmem>> -> memref<128x128xf32, #tpu.memory_space<vmem>>
    tpu.wait_dma2 semaphore(%arg17 : memref<!tpu.dma_semaphore, #tpu.memory_space<semaphore_mem>>) src(%dma_wait3A_580 : memref<128x128xf32, #tpu.memory_space<vmem>>) dst(%dma_wait3A_576 : memref<128x128xf32, #tpu.memory_space<hbm>>)
    %dma_wait3A_581 = arith.constant 2 : i32
    %dma_wait3A_582 = arith.constant 2 : i32
    %dma_wait3A_583 = arith.constant 0 : i32
    %dma_wait3A_584 = arith.constant 0 : i32
    %dma_wait3A_585 = tpu.memref_slice %arg14[%dma_wait3A_581, %dma_wait3A_583, %dma_wait3A_584] : memref<7x128x128xf32, #tpu.memory_space<vmem>> -> memref<1x128x128xf32, #tpu.memory_space<vmem>>
    %dma_wait3A_586 = tpu.memref_squeeze %dma_wait3A_585 : memref<1x128x128xf32, #tpu.memory_space<vmem>> -> memref<128x128xf32, #tpu.memory_space<vmem>>
    %dma_wait3A_587 = arith.constant 0 : i32
    %dma_wait3A_588 = arith.constant 0 : i32
    %dma_wait3A_589 = tpu.memref_slice %arg8[%add3A, %dma_wait3A_582, %dma_wait3A_587, %dma_wait3A_588] : memref<32x4x128x128xf32, #tpu.memory_space<hbm>> -> memref<1x1x128x128xf32, #tpu.memory_space<hbm>>
    %dma_wait3A_590 = tpu.memref_squeeze %dma_wait3A_589 : memref<1x1x128x128xf32, #tpu.memory_space<hbm>> -> memref<128x128xf32, #tpu.memory_space<hbm>>
    %dma_wait3A_591 = arith.constant 0 : i32
    %dma_wait3A_592 = arith.constant 0 : i32
    %dma_wait3A_593 = tpu.memref_slice %arg8[%add3A, %dma_wait3A_582, %dma_wait3A_591, %dma_wait3A_592] : memref<32x4x128x128xf32, #tpu.memory_space<hbm>> -> memref<1x1x128x128xf32, #tpu.memory_space<hbm>>
    %dma_wait3A_594 = tpu.memref_squeeze %dma_wait3A_593 : memref<1x1x128x128xf32, #tpu.memory_space<hbm>> -> memref<128x128xf32, #tpu.memory_space<hbm>>
    %dma_wait3A_595 = arith.constant 0 : i32
    %dma_wait3A_596 = arith.constant 0 : i32
    %dma_wait3A_597 = tpu.memref_slice %arg14[%dma_wait3A_581, %dma_wait3A_595, %dma_wait3A_596] : memref<7x128x128xf32, #tpu.memory_space<vmem>> -> memref<1x128x128xf32, #tpu.memory_space<vmem>>
    %dma_wait3A_598 = tpu.memref_squeeze %dma_wait3A_597 : memref<1x128x128xf32, #tpu.memory_space<vmem>> -> memref<128x128xf32, #tpu.memory_space<vmem>>
    tpu.wait_dma2 semaphore(%arg17 : memref<!tpu.dma_semaphore, #tpu.memory_space<semaphore_mem>>) src(%dma_wait3A_598 : memref<128x128xf32, #tpu.memory_space<vmem>>) dst(%dma_wait3A_594 : memref<128x128xf32, #tpu.memory_space<hbm>>)
    %dma_wait3A_599 = arith.constant 3 : i32
    %dma_wait3A_600 = arith.constant 3 : i32
    %dma_wait3A_601 = arith.constant 0 : i32
    %dma_wait3A_602 = arith.constant 0 : i32
    %dma_wait3A_603 = tpu.memref_slice %arg14[%dma_wait3A_599, %dma_wait3A_601, %dma_wait3A_602] : memref<7x128x128xf32, #tpu.memory_space<vmem>> -> memref<1x128x128xf32, #tpu.memory_space<vmem>>
    %dma_wait3A_604 = tpu.memref_squeeze %dma_wait3A_603 : memref<1x128x128xf32, #tpu.memory_space<vmem>> -> memref<128x128xf32, #tpu.memory_space<vmem>>
    %dma_wait3A_605 = arith.constant 0 : i32
    %dma_wait3A_606 = arith.constant 0 : i32
    %dma_wait3A_607 = tpu.memref_slice %arg8[%add3A, %dma_wait3A_600, %dma_wait3A_605, %dma_wait3A_606] : memref<32x4x128x128xf32, #tpu.memory_space<hbm>> -> memref<1x1x128x128xf32, #tpu.memory_space<hbm>>
    %dma_wait3A_608 = tpu.memref_squeeze %dma_wait3A_607 : memref<1x1x128x128xf32, #tpu.memory_space<hbm>> -> memref<128x128xf32, #tpu.memory_space<hbm>>
    %dma_wait3A_609 = arith.constant 0 : i32
    %dma_wait3A_610 = arith.constant 0 : i32
    %dma_wait3A_611 = tpu.memref_slice %arg8[%add3A, %dma_wait3A_600, %dma_wait3A_609, %dma_wait3A_610] : memref<32x4x128x128xf32, #tpu.memory_space<hbm>> -> memref<1x1x128x128xf32, #tpu.memory_space<hbm>>
    %dma_wait3A_612 = tpu.memref_squeeze %dma_wait3A_611 : memref<1x1x128x128xf32, #tpu.memory_space<hbm>> -> memref<128x128xf32, #tpu.memory_space<hbm>>
    %dma_wait3A_613 = arith.constant 0 : i32
    %dma_wait3A_614 = arith.constant 0 : i32
    %dma_wait3A_615 = tpu.memref_slice %arg14[%dma_wait3A_599, %dma_wait3A_613, %dma_wait3A_614] : memref<7x128x128xf32, #tpu.memory_space<vmem>> -> memref<1x128x128xf32, #tpu.memory_space<vmem>>
    %dma_wait3A_616 = tpu.memref_squeeze %dma_wait3A_615 : memref<1x128x128xf32, #tpu.memory_space<vmem>> -> memref<128x128xf32, #tpu.memory_space<vmem>>
    tpu.wait_dma2 semaphore(%arg17 : memref<!tpu.dma_semaphore, #tpu.memory_space<semaphore_mem>>) src(%dma_wait3A_616 : memref<128x128xf32, #tpu.memory_space<vmem>>) dst(%dma_wait3A_612 : memref<128x128xf32, #tpu.memory_space<hbm>>)
    %dma_wait3A_617 = arith.constant 4 : i32
    %dma_wait3A_618 = arith.constant 0 : i32
    %dma_wait3A_619 = arith.constant 0 : i32
    %dma_wait3A_620 = arith.constant 0 : i32
    %dma_wait3A_621 = tpu.memref_slice %arg14[%dma_wait3A_617, %dma_wait3A_619, %dma_wait3A_620] : memref<7x128x128xf32, #tpu.memory_space<vmem>> -> memref<1x128x128xf32, #tpu.memory_space<vmem>>
    %dma_wait3A_622 = tpu.memref_squeeze %dma_wait3A_621 : memref<1x128x128xf32, #tpu.memory_space<vmem>> -> memref<128x128xf32, #tpu.memory_space<vmem>>
    %dma_wait3A_623 = arith.constant 0 : i32
    %dma_wait3A_624 = arith.constant 0 : i32
    %dma_wait3A_625 = tpu.memref_slice %arg9[%add3A, %dma_wait3A_618, %dma_wait3A_623, %dma_wait3A_624] : memref<32x4x128x128xf32, #tpu.memory_space<hbm>> -> memref<1x1x128x128xf32, #tpu.memory_space<hbm>>
    %dma_wait3A_626 = tpu.memref_squeeze %dma_wait3A_625 : memref<1x1x128x128xf32, #tpu.memory_space<hbm>> -> memref<128x128xf32, #tpu.memory_space<hbm>>
    %dma_wait3A_627 = arith.constant 0 : i32
    %dma_wait3A_628 = arith.constant 0 : i32
    %dma_wait3A_629 = tpu.memref_slice %arg9[%add3A, %dma_wait3A_618, %dma_wait3A_627, %dma_wait3A_628] : memref<32x4x128x128xf32, #tpu.memory_space<hbm>> -> memref<1x1x128x128xf32, #tpu.memory_space<hbm>>
    %dma_wait3A_630 = tpu.memref_squeeze %dma_wait3A_629 : memref<1x1x128x128xf32, #tpu.memory_space<hbm>> -> memref<128x128xf32, #tpu.memory_space<hbm>>
    %dma_wait3A_631 = arith.constant 0 : i32
    %dma_wait3A_632 = arith.constant 0 : i32
    %dma_wait3A_633 = tpu.memref_slice %arg14[%dma_wait3A_617, %dma_wait3A_631, %dma_wait3A_632] : memref<7x128x128xf32, #tpu.memory_space<vmem>> -> memref<1x128x128xf32, #tpu.memory_space<vmem>>
    %dma_wait3A_634 = tpu.memref_squeeze %dma_wait3A_633 : memref<1x128x128xf32, #tpu.memory_space<vmem>> -> memref<128x128xf32, #tpu.memory_space<vmem>>
    tpu.wait_dma2 semaphore(%arg17 : memref<!tpu.dma_semaphore, #tpu.memory_space<semaphore_mem>>) src(%dma_wait3A_634 : memref<128x128xf32, #tpu.memory_space<vmem>>) dst(%dma_wait3A_630 : memref<128x128xf32, #tpu.memory_space<hbm>>)
    %dma_wait3A_635 = arith.constant 5 : i32
    %dma_wait3A_636 = arith.constant 1 : i32
    %dma_wait3A_637 = arith.constant 0 : i32
    %dma_wait3A_638 = arith.constant 0 : i32
    %dma_wait3A_639 = tpu.memref_slice %arg14[%dma_wait3A_635, %dma_wait3A_637, %dma_wait3A_638] : memref<7x128x128xf32, #tpu.memory_space<vmem>> -> memref<1x128x128xf32, #tpu.memory_space<vmem>>
    %dma_wait3A_640 = tpu.memref_squeeze %dma_wait3A_639 : memref<1x128x128xf32, #tpu.memory_space<vmem>> -> memref<128x128xf32, #tpu.memory_space<vmem>>
    %dma_wait3A_641 = arith.constant 0 : i32
    %dma_wait3A_642 = arith.constant 0 : i32
    %dma_wait3A_643 = tpu.memref_slice %arg9[%add3A, %dma_wait3A_636, %dma_wait3A_641, %dma_wait3A_642] : memref<32x4x128x128xf32, #tpu.memory_space<hbm>> -> memref<1x1x128x128xf32, #tpu.memory_space<hbm>>
    %dma_wait3A_644 = tpu.memref_squeeze %dma_wait3A_643 : memref<1x1x128x128xf32, #tpu.memory_space<hbm>> -> memref<128x128xf32, #tpu.memory_space<hbm>>
    %dma_wait3A_645 = arith.constant 0 : i32
    %dma_wait3A_646 = arith.constant 0 : i32
    %dma_wait3A_647 = tpu.memref_slice %arg9[%add3A, %dma_wait3A_636, %dma_wait3A_645, %dma_wait3A_646] : memref<32x4x128x128xf32, #tpu.memory_space<hbm>> -> memref<1x1x128x128xf32, #tpu.memory_space<hbm>>
    %dma_wait3A_648 = tpu.memref_squeeze %dma_wait3A_647 : memref<1x1x128x128xf32, #tpu.memory_space<hbm>> -> memref<128x128xf32, #tpu.memory_space<hbm>>
    %dma_wait3A_649 = arith.constant 0 : i32
    %dma_wait3A_650 = arith.constant 0 : i32
    %dma_wait3A_651 = tpu.memref_slice %arg14[%dma_wait3A_635, %dma_wait3A_649, %dma_wait3A_650] : memref<7x128x128xf32, #tpu.memory_space<vmem>> -> memref<1x128x128xf32, #tpu.memory_space<vmem>>
    %dma_wait3A_652 = tpu.memref_squeeze %dma_wait3A_651 : memref<1x128x128xf32, #tpu.memory_space<vmem>> -> memref<128x128xf32, #tpu.memory_space<vmem>>
    tpu.wait_dma2 semaphore(%arg17 : memref<!tpu.dma_semaphore, #tpu.memory_space<semaphore_mem>>) src(%dma_wait3A_652 : memref<128x128xf32, #tpu.memory_space<vmem>>) dst(%dma_wait3A_648 : memref<128x128xf32, #tpu.memory_space<hbm>>)
    %dma_wait3A_653 = arith.constant 6 : i32
    %dma_wait3A_654 = arith.constant 2 : i32
    %dma_wait3A_655 = arith.constant 0 : i32
    %dma_wait3A_656 = arith.constant 0 : i32
    %dma_wait3A_657 = tpu.memref_slice %arg14[%dma_wait3A_653, %dma_wait3A_655, %dma_wait3A_656] : memref<7x128x128xf32, #tpu.memory_space<vmem>> -> memref<1x128x128xf32, #tpu.memory_space<vmem>>
    %dma_wait3A_658 = tpu.memref_squeeze %dma_wait3A_657 : memref<1x128x128xf32, #tpu.memory_space<vmem>> -> memref<128x128xf32, #tpu.memory_space<vmem>>
    %dma_wait3A_659 = arith.constant 0 : i32
    %dma_wait3A_660 = arith.constant 0 : i32
    %dma_wait3A_661 = tpu.memref_slice %arg9[%add3A, %dma_wait3A_654, %dma_wait3A_659, %dma_wait3A_660] : memref<32x4x128x128xf32, #tpu.memory_space<hbm>> -> memref<1x1x128x128xf32, #tpu.memory_space<hbm>>
    %dma_wait3A_662 = tpu.memref_squeeze %dma_wait3A_661 : memref<1x1x128x128xf32, #tpu.memory_space<hbm>> -> memref<128x128xf32, #tpu.memory_space<hbm>>
    %dma_wait3A_663 = arith.constant 0 : i32
    %dma_wait3A_664 = arith.constant 0 : i32
    %dma_wait3A_665 = tpu.memref_slice %arg9[%add3A, %dma_wait3A_654, %dma_wait3A_663, %dma_wait3A_664] : memref<32x4x128x128xf32, #tpu.memory_space<hbm>> -> memref<1x1x128x128xf32, #tpu.memory_space<hbm>>
    %dma_wait3A_666 = tpu.memref_squeeze %dma_wait3A_665 : memref<1x1x128x128xf32, #tpu.memory_space<hbm>> -> memref<128x128xf32, #tpu.memory_space<hbm>>
    %dma_wait3A_667 = arith.constant 0 : i32
    %dma_wait3A_668 = arith.constant 0 : i32
    %dma_wait3A_669 = tpu.memref_slice %arg14[%dma_wait3A_653, %dma_wait3A_667, %dma_wait3A_668] : memref<7x128x128xf32, #tpu.memory_space<vmem>> -> memref<1x128x128xf32, #tpu.memory_space<vmem>>
    %dma_wait3A_670 = tpu.memref_squeeze %dma_wait3A_669 : memref<1x128x128xf32, #tpu.memory_space<vmem>> -> memref<128x128xf32, #tpu.memory_space<vmem>>
    tpu.wait_dma2 semaphore(%arg17 : memref<!tpu.dma_semaphore, #tpu.memory_space<semaphore_mem>>) src(%dma_wait3A_670 : memref<128x128xf32, #tpu.memory_space<vmem>>) dst(%dma_wait3A_666 : memref<128x128xf32, #tpu.memory_space<hbm>>)
    %dma_wait3A_671 = arith.constant 0 : i32
    %dma_wait3A_672 = arith.constant 3 : i32
    %dma_wait3A_673 = arith.constant 0 : i32
    %dma_wait3A_674 = arith.constant 0 : i32
    %dma_wait3A_675 = tpu.memref_slice %arg14[%dma_wait3A_671, %dma_wait3A_673, %dma_wait3A_674] : memref<7x128x128xf32, #tpu.memory_space<vmem>> -> memref<1x128x128xf32, #tpu.memory_space<vmem>>
    %dma_wait3A_676 = tpu.memref_squeeze %dma_wait3A_675 : memref<1x128x128xf32, #tpu.memory_space<vmem>> -> memref<128x128xf32, #tpu.memory_space<vmem>>
    %dma_wait3A_677 = arith.constant 0 : i32
    %dma_wait3A_678 = arith.constant 0 : i32
    %dma_wait3A_679 = tpu.memref_slice %arg9[%add3A, %dma_wait3A_672, %dma_wait3A_677, %dma_wait3A_678] : memref<32x4x128x128xf32, #tpu.memory_space<hbm>> -> memref<1x1x128x128xf32, #tpu.memory_space<hbm>>
    %dma_wait3A_680 = tpu.memref_squeeze %dma_wait3A_679 : memref<1x1x128x128xf32, #tpu.memory_space<hbm>> -> memref<128x128xf32, #tpu.memory_space<hbm>>
    %dma_wait3A_681 = arith.constant 0 : i32
    %dma_wait3A_682 = arith.constant 0 : i32
    %dma_wait3A_683 = tpu.memref_slice %arg9[%add3A, %dma_wait3A_672, %dma_wait3A_681, %dma_wait3A_682] : memref<32x4x128x128xf32, #tpu.memory_space<hbm>> -> memref<1x1x128x128xf32, #tpu.memory_space<hbm>>
    %dma_wait3A_684 = tpu.memref_squeeze %dma_wait3A_683 : memref<1x1x128x128xf32, #tpu.memory_space<hbm>> -> memref<128x128xf32, #tpu.memory_space<hbm>>
    %dma_wait3A_685 = arith.constant 0 : i32
    %dma_wait3A_686 = arith.constant 0 : i32
    %dma_wait3A_687 = tpu.memref_slice %arg14[%dma_wait3A_671, %dma_wait3A_685, %dma_wait3A_686] : memref<7x128x128xf32, #tpu.memory_space<vmem>> -> memref<1x128x128xf32, #tpu.memory_space<vmem>>
    %dma_wait3A_688 = tpu.memref_squeeze %dma_wait3A_687 : memref<1x128x128xf32, #tpu.memory_space<vmem>> -> memref<128x128xf32, #tpu.memory_space<vmem>>
    tpu.wait_dma2 semaphore(%arg17 : memref<!tpu.dma_semaphore, #tpu.memory_space<semaphore_mem>>) src(%dma_wait3A_688 : memref<128x128xf32, #tpu.memory_space<vmem>>) dst(%dma_wait3A_684 : memref<128x128xf32, #tpu.memory_space<hbm>>)
    %dma_wait3A_689 = arith.constant 0 : i32
    %dma_wait3A_690 = arith.constant 0 : i32
    %dma_wait3A_691 = arith.constant 0 : i32
    %dma_wait3A_692 = tpu.memref_slice %arg15[%dma_wait3A_689, %dma_wait3A_690, %dma_wait3A_691] : memref<2x4x128xf32, #tpu.memory_space<vmem>> -> memref<1x4x128xf32, #tpu.memory_space<vmem>>
    %dma_wait3A_693 = tpu.memref_squeeze %dma_wait3A_692 : memref<1x4x128xf32, #tpu.memory_space<vmem>> -> memref<4x128xf32, #tpu.memory_space<vmem>>
    %dma_wait3A_694 = arith.constant 0 : i32
    %dma_wait3A_695 = arith.constant 0 : i32
    %dma_wait3A_696 = tpu.memref_slice %arg10[%add3A, %dma_wait3A_694, %dma_wait3A_695] : memref<32x4x128xf32, #tpu.memory_space<hbm>> -> memref<1x4x128xf32, #tpu.memory_space<hbm>>
    %dma_wait3A_697 = tpu.memref_squeeze %dma_wait3A_696 : memref<1x4x128xf32, #tpu.memory_space<hbm>> -> memref<4x128xf32, #tpu.memory_space<hbm>>
    %dma_wait3A_698 = arith.constant 0 : i32
    %dma_wait3A_699 = arith.constant 0 : i32
    %dma_wait3A_700 = tpu.memref_slice %arg10[%add3A, %dma_wait3A_698, %dma_wait3A_699] : memref<32x4x128xf32, #tpu.memory_space<hbm>> -> memref<1x4x128xf32, #tpu.memory_space<hbm>>
    %dma_wait3A_701 = tpu.memref_squeeze %dma_wait3A_700 : memref<1x4x128xf32, #tpu.memory_space<hbm>> -> memref<4x128xf32, #tpu.memory_space<hbm>>
    %dma_wait3A_702 = arith.constant 0 : i32
    %dma_wait3A_703 = arith.constant 0 : i32
    %dma_wait3A_704 = tpu.memref_slice %arg15[%dma_wait3A_689, %dma_wait3A_702, %dma_wait3A_703] : memref<2x4x128xf32, #tpu.memory_space<vmem>> -> memref<1x4x128xf32, #tpu.memory_space<vmem>>
    %dma_wait3A_705 = tpu.memref_squeeze %dma_wait3A_704 : memref<1x4x128xf32, #tpu.memory_space<vmem>> -> memref<4x128xf32, #tpu.memory_space<vmem>>
    tpu.wait_dma2 semaphore(%arg18 : memref<!tpu.dma_semaphore, #tpu.memory_space<semaphore_mem>>) src(%dma_wait3A_705 : memref<4x128xf32, #tpu.memory_space<vmem>>) dst(%dma_wait3A_701 : memref<4x128xf32, #tpu.memory_space<hbm>>)
    %dma_wait3A_706 = arith.constant 1 : i32
    %dma_wait3A_707 = arith.constant 0 : i32
    %dma_wait3A_708 = arith.constant 0 : i32
    %dma_wait3A_709 = tpu.memref_slice %arg15[%dma_wait3A_706, %dma_wait3A_707, %dma_wait3A_708] : memref<2x4x128xf32, #tpu.memory_space<vmem>> -> memref<1x4x128xf32, #tpu.memory_space<vmem>>
    %dma_wait3A_710 = tpu.memref_squeeze %dma_wait3A_709 : memref<1x4x128xf32, #tpu.memory_space<vmem>> -> memref<4x128xf32, #tpu.memory_space<vmem>>
    %dma_wait3A_711 = arith.constant 0 : i32
    %dma_wait3A_712 = arith.constant 0 : i32
    %dma_wait3A_713 = tpu.memref_slice %arg11[%add3A, %dma_wait3A_711, %dma_wait3A_712] : memref<32x4x128xf32, #tpu.memory_space<hbm>> -> memref<1x4x128xf32, #tpu.memory_space<hbm>>
    %dma_wait3A_714 = tpu.memref_squeeze %dma_wait3A_713 : memref<1x4x128xf32, #tpu.memory_space<hbm>> -> memref<4x128xf32, #tpu.memory_space<hbm>>
    %dma_wait3A_715 = arith.constant 0 : i32
    %dma_wait3A_716 = arith.constant 0 : i32
    %dma_wait3A_717 = tpu.memref_slice %arg11[%add3A, %dma_wait3A_715, %dma_wait3A_716] : memref<32x4x128xf32, #tpu.memory_space<hbm>> -> memref<1x4x128xf32, #tpu.memory_space<hbm>>
    %dma_wait3A_718 = tpu.memref_squeeze %dma_wait3A_717 : memref<1x4x128xf32, #tpu.memory_space<hbm>> -> memref<4x128xf32, #tpu.memory_space<hbm>>
    %dma_wait3A_719 = arith.constant 0 : i32
    %dma_wait3A_720 = arith.constant 0 : i32
    %dma_wait3A_721 = tpu.memref_slice %arg15[%dma_wait3A_706, %dma_wait3A_719, %dma_wait3A_720] : memref<2x4x128xf32, #tpu.memory_space<vmem>> -> memref<1x4x128xf32, #tpu.memory_space<vmem>>
    %dma_wait3A_722 = tpu.memref_squeeze %dma_wait3A_721 : memref<1x4x128xf32, #tpu.memory_space<vmem>> -> memref<4x128xf32, #tpu.memory_space<vmem>>
    tpu.wait_dma2 semaphore(%arg18 : memref<!tpu.dma_semaphore, #tpu.memory_space<semaphore_mem>>) src(%dma_wait3A_722 : memref<4x128xf32, #tpu.memory_space<vmem>>) dst(%dma_wait3A_718 : memref<4x128xf32, #tpu.memory_space<hbm>>)
    return
  }
}

module attributes {stable_mosaic.version = 14 : i64} {
  func.func @body(%arg0: memref<16384xf32, #tpu.memory_space<vmem>>, %arg1: memref<16384xf32, #tpu.memory_space<vmem>>, %arg2: memref<16384xf32, #tpu.memory_space<vmem>>) attributes {dimension_semantics = [], scalar_prefetch = 0 : i64, scratch_operands = 0 : i64, tpu.core_type = #tpu.core_type<tc>} {
    %get3A = arith.constant 0 : index
    %get3A_0 = vector.load %arg0[%get3A] : memref<16384xf32, #tpu.memory_space<vmem>>, vector<16384xf32>
    %lt3A = arith.constant 1.000000e+02 : f32
    %lt3A_1 = vector.broadcast %lt3A : f32 to vector<16384xf32>
    %lt3A_2 = arith.cmpf olt, %get3A_0, %lt3A_1 : vector<16384xf32>
    %div3A = arith.constant 1.000000e+02 : f32
    %div3A_3 = vector.broadcast %div3A : f32 to vector<16384xf32>
    %div3A_4 = arith.divf %get3A_0, %div3A_3 : vector<16384xf32>
    %pow3A = arith.constant 7.500000e-01 : f32
    %pow3A_5 = vector.broadcast %pow3A : f32 to vector<16384xf32>
    %pow3A_6 = math.powf %div3A_4, %pow3A_5 : vector<16384xf32>
    %jit3A = arith.constant 1.000000e+00 : f32
    %broadcast_in_dim3A = vector.broadcast %jit3A : f32 to vector<16384xf32>
    %select_n3A = arith.select %lt3A_2, %pow3A_6, %broadcast_in_dim3A : vector<16384xi1>, vector<16384xf32>
    %swap3A = arith.constant 0 : index
    %swap3A_7 = vector.load %arg1[%swap3A] : memref<16384xf32, #tpu.memory_space<vmem>>, vector<16384xf32>
    tpu.vector_store %arg1[%swap3A], %select_n3A {strides = array<i32>} : memref<16384xf32, #tpu.memory_space<vmem>>, vector<16384xf32>,
    %log3A = math.log %get3A_0 : vector<16384xf32>
    %swap3A_8 = arith.constant 0 : index
    %swap3A_9 = vector.load %arg2[%swap3A_8] : memref<16384xf32, #tpu.memory_space<vmem>>, vector<16384xf32>
    tpu.vector_store %arg2[%swap3A_8], %log3A {strides = array<i32>} : memref<16384xf32, #tpu.memory_space<vmem>>, vector<16384xf32>,
    return
  }
}

module attributes {stable_mosaic.version = 14 : i64} {
  func.func @body(%arg0: i32, %arg1: memref<8192x128xf32, #tpu.memory_space<vmem>>, %arg2: memref<8192x128xf32, #tpu.memory_space<vmem>>, %arg3: memref<64x128xf32, #tpu.memory_space<vmem>>, %arg4: memref<64x128xf32, #tpu.memory_space<vmem>>, %arg5: memref<64x128xf32, #tpu.memory_space<vmem>>, %arg6: memref<64x128xf32, #tpu.memory_space<vmem>>, %arg7: memref<1x1xf32, #tpu.memory_space<smem>>, %arg8: memref<8192x128xf32, #tpu.memory_space<vmem>>) attributes {dimension_semantics = [#tpu.dimension_semantics<arbitrary>], iteration_bounds = array<i64: 2>, scalar_prefetch = 0 : i64, scratch_operands = 1 : i64, tpu.core_type = #tpu.core_type<tc>, window_params = [{transform_indices = @transform_0, window_bounds = array<i64: 8192, 128>}, {transform_indices = @transform_1, window_bounds = array<i64: 8192, 128>}, {transform_indices = @transform_2, window_bounds = array<i64: 64, 128>}, {transform_indices = @transform_3, window_bounds = array<i64: 64, 128>}, {transform_indices = @transform_4, window_bounds = array<i64: 64, 128>}, {transform_indices = @transform_5, window_bounds = array<i64: 64, 128>}, {transform_indices = @transform_6, window_bounds = array<i64: 1, 1>}]} {
    %eq3A = arith.constant 0 : i32
    %eq3A_0 = arith.cmpi eq, %arg0, %eq3A : i32
    %convert_element_type3A = arith.extui %eq3A_0 : i1 to i32
    %cond3A = arith.constant 0 : i32
    %cond3A_1 = arith.cmpi ne, %convert_element_type3A, %cond3A : i32
    scf.if %cond3A_1 {
      %iota3A = tpu.iota {dimensions = array<i32: 0>} : vector<8192x128xi32>
      %iota3A_40 = tpu.iota {dimensions = array<i32: 1>} : vector<8192x128xi32>
      %jit3A = arith.constant 128 : i32
      %eq3A_41 = arith.constant 0 : i32
      %eq3A_42 = arith.cmpi eq, %jit3A, %eq3A_41 : i32
      %jit3A_43 = arith.constant 1 : i32
      %select_n3A = arith.select %eq3A_42, %jit3A_43, %jit3A : i32
      %rem3A = vector.broadcast %select_n3A : i32 to vector<8192x128xi32>
      %rem3A_44 = arith.remsi %iota3A, %rem3A : vector<8192x128xi32>
      %ne3A = arith.constant 0 : i32
      %ne3A_45 = vector.broadcast %ne3A : i32 to vector<8192x128xi32>
      %ne3A_46 = arith.cmpi ne, %rem3A_44, %ne3A_45 : vector<8192x128xi32>
      %lt3A = arith.constant 0 : i32
      %lt3A_47 = vector.broadcast %lt3A : i32 to vector<8192x128xi32>
      %lt3A_48 = arith.cmpi slt, %rem3A_44, %lt3A_47 : vector<8192x128xi32>
      %lt3A_49 = arith.constant 0 : i32
      %lt3A_50 = arith.cmpi slt, %select_n3A, %lt3A_49 : i32
      %ne3A_51 = vector.broadcast %lt3A_50 : i1 to vector<8192x128xi1>
      %ne3A_52 = vector.broadcast %ne3A_51 : vector<8192x128xi1> to vector<8192x128xi1>
      %ne3A_53 = arith.xori %lt3A_48, %ne3A_52 : vector<8192x128xi1>
      %and3A = arith.andi %ne3A_53, %ne3A_46 : vector<8192x128xi1>
      %add3A_54 = vector.broadcast %select_n3A : i32 to vector<8192x128xi32>
      %add3A_55 = arith.addi %rem3A_44, %add3A_54 : vector<8192x128xi32>
      %select_n3A_56 = arith.select %and3A, %add3A_55, %rem3A_44 : vector<8192x128xi1>, vector<8192x128xi32>
      %eq3A_57 = arith.cmpi eq, %select_n3A_56, %iota3A_40 : vector<8192x128xi32>
      %jit3A_58 = arith.constant 1.000000e+00 : f32
      %jit3A_59 = arith.constant 0.000000e+00 : f32
      %broadcast_in_dim3A_60 = vector.broadcast %jit3A_58 : f32 to vector<8192x128xf32>
      %broadcast_in_dim3A_61 = vector.broadcast %jit3A_59 : f32 to vector<8192x128xf32>
      %select_n3A_62 = arith.select %eq3A_57, %broadcast_in_dim3A_60, %broadcast_in_dim3A_61 : vector<8192x128xi1>, vector<8192x128xf32>
      %swap3A_63 = arith.constant 0 : index
      %swap3A_64 = arith.constant 0 : index
      %swap3A_65 = vector.load %arg8[%swap3A_63, %swap3A_64] : memref<8192x128xf32, #tpu.memory_space<vmem>>, vector<8192x128xf32>
      tpu.vector_store %arg8[%swap3A_63, %swap3A_64], %select_n3A_62 {strides = array<i32>} : memref<8192x128xf32, #tpu.memory_space<vmem>>, vector<8192x128xf32>,
      %swap3A_66 = arith.constant 0.000000e+00 : f32
      %swap3A_67 = arith.constant 0 : index
      %swap3A_68 = arith.constant 0 : index
      %swap3A_69 = memref.load %arg7[%swap3A_67, %swap3A_68] : memref<1x1xf32, #tpu.memory_space<smem>>
      memref.store %swap3A_66, %arg7[%swap3A_67, %swap3A_68] : memref<1x1xf32, #tpu.memory_space<smem>>
    } else {
    }
    %get3A = arith.constant 0 : index
    %get3A_2 = arith.constant 0 : index
    %get3A_3 = vector.load %arg1[%get3A, %get3A_2] : memref<8192x128xf32, #tpu.memory_space<vmem>>, vector<8192x128xf32>
    %get3A_4 = arith.constant 0 : index
    %get3A_5 = arith.constant 0 : index
    %get3A_6 = vector.load %arg2[%get3A_4, %get3A_5] : memref<8192x128xf32, #tpu.memory_space<vmem>>, vector<8192x128xf32>
    %mul3A = arith.mulf %get3A_3, %get3A_6 : vector<8192x128xf32>
    %convert_element_type3A_7 = arith.truncf %mul3A : vector<8192x128xf32> to vector<8192x128xbf16>
    %broadcast_in_dim3A = arith.constant 1.000000e+00 : bf16
    %broadcast_in_dim3A_8 = vector.broadcast %broadcast_in_dim3A : bf16 to vector<128x128xbf16>
    %dot_general3A = arith.constant dense<0.000000e+00> : vector<8192x128xf32>
    %dot_general3A_9 = tpu.matmul %convert_element_type3A_7, %broadcast_in_dim3A_8, %dot_general3A {dimension_numbers = #tpu.dot_dimension_numbers<[1], [0], [0], [1], [0, 0, 1, 1], [], []>, transpose_lhs_hint = false} : vector<8192x128xbf16>, vector<128x128xbf16>, vector<8192x128xf32> -> vector<8192x128xf32>
    %get3A_10 = arith.constant 0 : index
    %get3A_11 = arith.constant 0 : index
    %get3A_12 = vector.load %arg8[%get3A_10, %get3A_11] : memref<8192x128xf32, #tpu.memory_space<vmem>>, vector<8192x128xf32>
    %mul3A_13 = arith.mulf %dot_general3A_9, %get3A_12 : vector<8192x128xf32>
    %reshape3A = vector.shape_cast %mul3A_13 : vector<8192x128xf32> to vector<64x128x128xf32>
    %reduce_sum3A = arith.constant dense<0.000000e+00> : vector<64x128xf32>
    %reduce_sum3A_14 = vector.multi_reduction <add>, %reshape3A, %reduce_sum3A [1] : vector<64x128x128xf32> to vector<64x128xf32>
    %get3A_15 = arith.constant 0 : index
    %get3A_16 = arith.constant 0 : index
    %get3A_17 = vector.load %arg3[%get3A_15, %get3A_16] : memref<64x128xf32, #tpu.memory_space<vmem>>, vector<64x128xf32>
    %add3A = arith.addf %reduce_sum3A_14, %get3A_17 : vector<64x128xf32>
    %get3A_18 = arith.constant 0 : index
    %get3A_19 = arith.constant 0 : index
    %get3A_20 = vector.load %arg4[%get3A_18, %get3A_19] : memref<64x128xf32, #tpu.memory_space<vmem>>, vector<64x128xf32>
    %add3A_21 = arith.addf %add3A, %get3A_20 : vector<64x128xf32>
    %get3A_22 = arith.constant 0 : index
    %get3A_23 = arith.constant 0 : index
    %get3A_24 = vector.load %arg5[%get3A_22, %get3A_23] : memref<64x128xf32, #tpu.memory_space<vmem>>, vector<64x128xf32>
    %get3A_25 = arith.constant 0 : index
    %get3A_26 = arith.constant 0 : index
    %get3A_27 = vector.load %arg6[%get3A_25, %get3A_26] : memref<64x128xf32, #tpu.memory_space<vmem>>, vector<64x128xf32>
    %sub3A = arith.subf %add3A_21, %get3A_27 : vector<64x128xf32>
    %integer_pow3A = arith.mulf %sub3A, %sub3A : vector<64x128xf32>
    %mul3A_28 = arith.mulf %get3A_24, %integer_pow3A : vector<64x128xf32>
    %reduce_sum3A_29 = vector.shape_cast %mul3A_28 : vector<64x128xf32> to vector<1x64x128xf32>
    %reduce_sum3A_30 = arith.constant dense<0.000000e+00> : vector<1xf32>
    %reduce_sum3A_31 = vector.multi_reduction <add>, %reduce_sum3A_29, %reduce_sum3A_30 [1, 2] : vector<1x64x128xf32> to vector<1xf32>
    %reduce_sum3A_32 = vector.shape_cast %reduce_sum3A_31 : vector<1xf32> to vector<1x1x1xf32>
    %reduce_sum3A_33 = vector.extract %reduce_sum3A_32[0, 0, 0] : f32 from vector<1x1x1xf32>
    %get3A_34 = arith.constant 0 : index
    %get3A_35 = arith.constant 0 : index
    %get3A_36 = memref.load %arg7[%get3A_34, %get3A_35] : memref<1x1xf32, #tpu.memory_space<smem>>
    %add3A_37 = arith.addf %get3A_36, %reduce_sum3A_33 : f32
    %swap3A = arith.constant 0 : index
    %swap3A_38 = arith.constant 0 : index
    %swap3A_39 = memref.load %arg7[%swap3A, %swap3A_38] : memref<1x1xf32, #tpu.memory_space<smem>>
    memref.store %add3A_37, %arg7[%swap3A, %swap3A_38] : memref<1x1xf32, #tpu.memory_space<smem>>
    return
  }
  func.func @transform_0(%arg0: i32) -> (i32, i32) {
    %c0_i32 = arith.constant 0 : i32
    %c0_i32_0 = arith.constant 0 : i32
    return %arg0, %c0_i32 : i32, i32
  }
  func.func @transform_1(%arg0: i32) -> (i32, i32) {
    %c0_i32 = arith.constant 0 : i32
    %c0_i32_0 = arith.constant 0 : i32
    return %arg0, %c0_i32 : i32, i32
  }
  func.func @transform_2(%arg0: i32) -> (i32, i32) {
    %c0_i32 = arith.constant 0 : i32
    %c0_i32_0 = arith.constant 0 : i32
    return %arg0, %c0_i32 : i32, i32
  }
  func.func @transform_3(%arg0: i32) -> (i32, i32) {
    %c0_i32 = arith.constant 0 : i32
    %c0_i32_0 = arith.constant 0 : i32
    return %arg0, %c0_i32 : i32, i32
  }
  func.func @transform_4(%arg0: i32) -> (i32, i32) {
    %c0_i32 = arith.constant 0 : i32
    %c0_i32_0 = arith.constant 0 : i32
    return %arg0, %c0_i32 : i32, i32
  }
  func.func @transform_5(%arg0: i32) -> (i32, i32) {
    %c0_i32 = arith.constant 0 : i32
    %c0_i32_0 = arith.constant 0 : i32
    return %arg0, %c0_i32 : i32, i32
  }
  func.func @transform_6(%arg0: i32) -> (i32, i32) {
    %c0_i32 = arith.constant 0 : i32
    %c0_i32_0 = arith.constant 0 : i32
    %c0_i32_1 = arith.constant 0 : i32
    return %c0_i32, %c0_i32_0 : i32, i32
  }
}

</mosaic_0001>

<sc_bundles>
// kernel: kernel.5.cloned.1.call-start
scs
__scs_entry_jumppad:
0x0: {  	(pc) =	sbr.rel $0x88, $3  }
0x1: {  	(tag) =	ssettag $0x0;
	lr =	simm.s32 $0x1  }
0x2: {  	[smem:$0x3F9A] =	sst lr;
	_ =	strace $0xD0000000  }
0x3: {  	_ = 	snop  }
0x4: {  	_ = 	snop  }
0x5: {  	_ = 	snop  }
0x6: {  	_ = 	snop  }
0x7: {  	_ = 	snop  }
__scs_overlays_trampoline_lowered:
0x8: {  	[smem:$0x3FA9] =	sst s0  }
0x9: {  	[smem:$0x3FAA] =	sst s1  }
0xa: {  	[smem:$0x3FAB] =	sst s2  }
0xb: {  	[smem:$0x3FAC] =	sst s3  }
0xc: {  	[smem:$0x3FAD] =	sst s4  }
0xd: {  	[smem:$0x3FAE] =	sst s5  }
0xe: {  	[smem:$0x3FAF] =	sst s6  }
0xf: {  	[smem:$0x3FB0] =	sst s7  }
0x10: {  	[smem:$0x3FB1] =	sst s8  }
0x11: {  	[smem:$0x3FB2] =	sst s9;
	s0 =	simm.s32 @!p0 $0x0  }
0x12: {  	s1 =	sld [smem:$0x3F98];
	s0 =	simm.s32 @p0 $0x1  }
0x13: {  	[smem:$0x3FB3] =	sst s0;
	s0 =	simm.s32 @!p1 $0x0  }
0x14: {  	s2 =	sld [smem:$0x3F97];
	s0 =	simm.s32 @p1 $0x1  }
0x15: {  	[smem:$0x3FB4] =	sst s0;
	s0 =	simm.s32 @!p2 $0x0  }
0x16: {  	s3 =	sld [smem:$0x3FDB];
	s0 =	simm.s32 @p2 $0x1  }
0x17: {  	s4 =	simm.s32 $0x1BF5;
	[smem:$0x3FB6] =	sst s0  }
0x18: {  	s0 =	sld [smem:$0x3F99];
	_ =	swait.ge [sflag:s4], $0x0  }
0x19: {  	s7 =	sld [smem:$0x3F9A]  }
0x1a: {  	s8 =	sadd.s32 $0xFFFFE003, lr  }
0x1b: {  	s9 =	sadd.s32 $0xFFFFFEF7, lr;
	s5 =	simm.s32 $0xFFFFFFFF;
	p2 =	slt.u32 s8, $0xFFFFF086  }
0x1c: {  	p1 =	slt.u32 s9, $0xF7A;
	s5 =	simm.s32 @!p2 $0x0  }
0x1d: {  	s5 =	simm.s32 @p1 $0x1;
	p0 =	seq.s32 s7, s2  }
0x1e: {  	s7 =	smul.u32 @!p0 $0xF7A, s2;
	p2 =	seq.s32 @!p0 s5, $0x0  }
0x1f: {  	s9 =	smul.u32 $0xF7A, s1;
	s8 =	simm.s32 @!p0 $0x1BF5;
	p2 =	por !p2, p0  }
0x20: {  	[sflag:s8] =	ssyncset.s32 @!p0 $0xFFFFF086;
	s6 =	sadd.s32 @!p0 s3, s7;
	s7 =	simm.s32 @!p0 $0x108  }
0x21: {  	s3 =	sadd.s32 s3, s9;
	s6 =	sadd.s32 @!p0 $0x88, s6;
	s7 =	simm.s32 @p2 $0x1082  }
0x22: {  	[simem:s7], [sflag:s8] =	dma.local @!p0 [hbm:s6], $0xF7A  }
0x23: {  	s9 =	sor.u32 $0xD0000000, s2;
	s6 =	simm.s32 $0x108;
	_ =	swait.ge @!p0 [sflag:s8], $0x0  }
0x24: {  	s3 =	sadd.s32 $0x88, s3;
	s6 =	simm.s32 @!p1 $0x1082;
	[sflag:s4] =	ssyncset.s32 $0xFFFFF086  }
0x25: {  	[simem:s6], [sflag:s4] =	dma.local [hbm:s3], $0xF7A  }
0x26: {  	[smem:$0x3F9A] =	sst s1;
	(tag) =	ssettag s2;
	_ =	strace s9  }
0x27: {  	s1 =	sld [smem:$0x3FAA]  }
0x28: {  	s2 =	sld [smem:$0x3FAB]  }
0x29: {  	s4 =	sld [smem:$0x3FAD]  }
0x2a: {  	p0 =	seq.s32 s5, $0x0;
	s5 =	sld [smem:$0x3FAE]  }
0x2b: {  	s6 =	sld [smem:$0x3FAF]  }
0x2c: {  	s7 =	sld [smem:$0x3FB0]  }
0x2d: {  	s3 =	simm.s32 $0x108;
	s8 =	sld [smem:$0x3FB1]  }
0x2e: {  	s3 =	simm.s32 @!p0 $0x1082;
	s9 =	sld [smem:$0x3FB2]  }
0x2f: {  	lr =	sadd.s32 s0, s3;
	s0 =	sld [smem:$0x3FA9]  }
0x30: {  	s3 =	sld [smem:$0x3FAC]  }
0x31: {  	[smem:$0x3FB5] =	sst s10  }
0x32: {  	s10 =	sld [smem:$0x3FB3];
	_ =	sdelay $0x3  }
0x33: {  	p0 =	seq.s32 s10, $0x1;
	s10 =	sld [smem:$0x3FB5];
	_ =	sdelay $0x3  }
0x34: {  	[smem:$0x3FB5] =	sst s10  }
0x35: {  	s10 =	sld [smem:$0x3FB4];
	_ =	sdelay $0x3  }
0x36: {  	p1 =	seq.s32 s10, $0x1;
	s10 =	sld [smem:$0x3FB5];
	_ =	sdelay $0x3  }
0x37: {  	[smem:$0x3FB5] =	sst s10  }
0x38: {  	s10 =	sld [smem:$0x3FB6]  }
0x39: {  	_ = 	snop;
	(pc) =	sbr.ind lr, $3  }
0x3a: {  	_ = 	snop  }
0x3b: {  	_ = 	snop  }
0x3c: {  	p2 =	seq.s32 s10, $0x1;
	s10 =	sld [smem:$0x3FB5]  }
0x3d: {  	_ =	shalt  }
0x3e: {  	_ =	shalt  }
0x3f: {  	_ =	shalt  }
0x40: {  	_ =	shalt  }
0x41: {  	_ =	shalt  }
0x42: {  	_ =	shalt  }
0x43: {  	_ =	shalt  }
0x44: {  	_ =	shalt  }
0x45: {  	_ =	shalt  }
0x46: {  	_ =	shalt  }
0x47: {  	_ =	shalt  }
0x48: {  	_ =	shalt  }
0x49: {  	_ =	shalt  }
0x4a: {  	_ =	shalt  }
0x4b: {  	_ =	shalt  }
0x4c: {  	_ =	shalt  }
0x4d: {  	_ =	shalt  }
0x4e: {  	_ =	shalt  }
0x4f: {  	_ =	shalt  }
0x50: {  	_ =	shalt  }
0x51: {  	_ =	shalt  }
0x52: {  	_ =	shalt  }
0x53: {  	_ =	shalt  }
0x54: {  	_ =	shalt  }
0x55: {  	_ =	shalt  }
0x56: {  	_ =	shalt  }
0x57: {  	_ =	shalt  }
0x58: {  	_ =	shalt  }
0x59: {  	_ =	shalt  }
0x5a: {  	_ =	shalt  }
0x5b: {  	_ =	shalt  }
0x5c: {  	_ =	shalt  }
0x5d: {  	_ =	shalt  }
0x5e: {  	_ =	shalt  }
0x5f: {  	_ =	shalt  }
0x60: {  	_ =	shalt  }
0x61: {  	_ =	shalt  }
0x62: {  	_ =	shalt  }
0x63: {  	_ =	shalt  }
0x64: {  	_ =	shalt  }
0x65: {  	_ =	shalt  }
0x66: {  	_ =	shalt  }
0x67: {  	_ =	shalt  }
0x68: {  	_ =	shalt  }
0x69: {  	_ =	shalt  }
0x6a: {  	_ =	shalt  }
0x6b: {  	_ =	shalt  }
0x6c: {  	_ =	shalt  }
0x6d: {  	_ =	shalt  }
0x6e: {  	_ =	shalt  }
0x6f: {  	_ =	shalt  }
0x70: {  	_ =	shalt  }
0x71: {  	_ =	shalt  }
0x72: {  	_ =	shalt  }
0x73: {  	_ =	shalt  }
0x74: {  	_ =	shalt  }
0x75: {  	_ =	shalt  }
0x76: {  	_ =	shalt  }
0x77: {  	_ =	shalt  }
0x78: {  	_ =	shalt  }
0x79: {  	_ =	shalt  }
0x7a: {  	_ =	shalt  }
0x7b: {  	_ =	shalt  }
0x7c: {  	_ =	shalt  }
0x7d: {  	_ =	shalt  }
0x7e: {  	_ =	shalt  }
0x7f: {  	_ =	shalt  }
0x80: {  	_ =	shalt  }
0x81: {  	_ =	shalt  }
0x82: {  	_ =	shalt  }
0x83: {  	_ =	shalt  }
0x84: {  	_ =	shalt  }
0x85: {  	_ =	shalt  }
0x86: {  	_ =	shalt  }
0x87: {  	_ =	shalt  }
.Lfunc_end0:
.L_simem_size_0:
called_computation_lowered:
.L_overlay_start_0:
0x88: {  	s2 =	sld [smem:$0x3FD9]  }
0x89: {  	s3 =	sld [smem:$0x3FFE];
	_ =	sdelay $0x1  }
0x8a: {  	s1 =	srdreg.scid  }
0x8b: {  	s0 =	sand.u32 $0x1, s1  }
0x8c: {  	s17 =	sshll.u32 s0, $0xA;
	s2 =	sadd.s32 s3, s2  }
0x8d: {  	s2 =	sadd.s32 s2, s17  }
0x8e: {  	[smem:$0x3FC1] =	sst s2  }
0x8f: {  	_ = 	snop  }
0x90: {  	s2 =	sld [smem:$0x3FC9]  }
0x91: {  	s18 =	sld [smem:$0x3FC8]  }
0x92: {  	s4 =	sld [smem:$0x3FC6]  }
0x93: {  	s5 =	sld [smem:$0x3FC5]  }
0x94: {  	s6 =	sld [smem:$0x3FC4]  }
0x95: {  	s7 =	sld [smem:$0x3FC3];
	(tm) =	ssettm $0x1  }
0x96: {  	s8 =	sld [smem:$0x3FFB];
	_ =	sdelay $0x3  }
0x97: {  	_ =	strace s8  }
0x98: {  	s8 =	sld [smem:$0x3FFC];
	_ =	sdelay $0x3  }
0x99: {  	_ =	strace s8  }
0x9a: {  	s8 =	sld [smem:$0x3FFD];
	_ =	sdelay $0x3  }
0x9b: {  	_ =	strace s8  }
0x9c: {  	_ =	strace $0x8FFFFFFF  }
0x9d: {  	s19 =	sld [smem:$0x3FDB];
	_ =	sdelay $0x1  }
0x9e: {  	s9 =	simm.s32 $_scs_section_size  }
0x9f: {  	s10 =	simm.s32 $_size__tile_overlayer_lowered;
	s11 =	simm.s32 $_tile_overlayer_lowered  }
0xa0: {  	s22 =	simm.s32 $0x1BFF;
	s21 =	sshll.u32 s11, $0x1;
	s8 =	sadd.s32 s9, s19  }
0xa1: {  	s12 =	simm.s32 $0x0;
	s20 =	sshll.u32 s10, $0x1;
	s10 =	sadd.s32 s21, s8  }
0xa2: {  	[timem:s12], [sflag:s22] =	dma.local [hbm:s10], s20  }
0xa3: {  	_ =	swait.ge [sflag:s22], s20  }
0xa4: {  	s9 =	ssub.s32 $0x0, s20;
	[sflag:s22] =	ssyncset.done $0x0  }
0xa5: {  	[sflag:s22] =	ssyncadd.s32 s9;
	_ =	sdelay $0x1  }
0xa6: {  	s23 =	simm.s32 $0x1B8B  }
0xa7: {  	_ =	swait.ge [sflag:s23], $0x1  }
0xa8: {  	[sflag:s23] =	ssyncset.done $0x0  }
0xa9: {  	s25 =	simm.s32 $0x1B8E;
	s24 =	sld [smem:$0x3FFE];
	[sflag:s23] =	ssyncadd.s32 $0xFFFFFFFF  }
0xaa: {  	s26 =	simm.s32 $execute0_lowered;
	[smem:$0x3FD2] =	sst s25  }
0xab: {  	s10 =	sshll.u32 s26, $0x1;
	_ =	strace $0x80000046;
	[dreg:$0x1] =	wrdreg $0xFFFFFFFF  }
0xac: {  	s28 =	simm.s32 $_size_execute0_lowered;
	s8 =	sadd.s32 s8, s10;
	[dreg:$0x0] =	wrdreg $0x0  }
0xad: {  	s10 =	sshll.u32 s28, $0x1;
	[dreg:$0x2] =	wrdreg s8  }
0xae: {  	[dreg:$0x3] =	wrdreg s10  }
0xaf: {  	[dreg:$0x4] =	wrdreg $0xC0  }
0xb0: {  	_ =	task [dreg:s12], $0x5FFFF  }
0xb1: {  	[dreg:$0x1] =	wrdreg $0xFFFFFFFF  }
0xb2: {  	[dreg:$0x0] =	wrdreg $0x60  }
0xb3: {  	[dreg:$0x2] =	wrdreg s2  }
0xb4: {  	[dreg:$0x3] =	wrdreg s18  }
0xb5: {  	[dreg:$0x4] =	wrdreg s4  }
0xb6: {  	[dreg:$0x5] =	wrdreg s5  }
0xb7: {  	[dreg:$0x6] =	wrdreg s6  }
0xb8: {  	[dreg:$0x7] =	wrdreg s7  }
0xb9: {  	[dreg:$0x8] =	wrdreg s24  }
0xba: {  	[dreg:$0x9] =	wrdreg $0x9  }
0xbb: {  	_ =	task.clear_ibuf [dreg:s12], $0xAFFFF;
	_ =	strace $0x90000046  }
0xbc: {  	s29 =	simm.s32 $0x9;
	_ =	strace $0x80000048  }
0xbd: {  	_ =	swait.ge [sflag:s29], $0x1  }
0xbe: {  	[sflag:s29] =	ssyncadd.s32 $0xFFFFFFFF  }
0xbf: {  	_ =	strace $0x90000048  }
0xc0: {  	_ =	sfence  }
0xc1: {  	s30 =	sld [smem:$0x0];
	_ =	sdelay $0x2  }
0xc2: {  	s31 =	sshll.u32 s1, $0xD;
	s1 =	sshrl.u32 s1, $0x2  }
0xc3: {  	s3 =	sand.u32 $0x4000, s31;
	s1 =	sadd.s32 s1, s30  }
0xc4: {  	s0 =	sor.u32 s3, s0;
	s1 =	sshll.u32 s1, $0x11  }
0xc5: {  	s0 =	sor.u32 s1, s0  }
0xc6: {  	s0 =	sadd.s32 $0x8F2B, s0  }
0xc7: {  	[sflag:s0] =	ssyncadd.remote.s32 $0x1  }
0xc8: {  	_ =	sfence.sel $0xFFFF  }
0xc9: {  	[dreg:$0x0] =	wrdreg $0xFFFFFFFF;
	(pc) =	sbr.abs _section_cstart, $3  }
0xca: {  	[dreg:$0x1] =	wrdreg $0xFFFFFFFF  }
0xcb: {  	_ =	task.clear_ibuf [dreg:s12], $0x2FFFF;
	_ =	strace $0x9FFFFFFF  }
0xcc: {  	(tm) =	ssettm $0x7FFFFFFF  }
0xcd: {  	_ =	shalt  }
tec
execute0_lowered:
.L_overlay_start_1:
0x0: {  	(tag) =	ssettag $0x1  }
0x1: {  	s0 =	rddreg [dreg:$0x0]  }
0x2: {  	s1 =	rddreg [dreg:$0x1]  }
0x3: {  	s8 =	rddreg [dreg:$0x2]  }
0x4: {  	s7 =	rddreg [dreg:$0x3]  }
0x5: {  	s10 =	rddreg [dreg:$0x4]  }
0x6: {  	s9 =	rddreg [dreg:$0x5]  }
0x7: {  	s2 =	srdreg.scid;
	s5 =	stileid.u32  }
0x8: {  	s3 =	rddreg [dreg:$0x6];
	s19 =	simm.s32 $0x200;
	s30 =	simm.s32 $0x1C680  }
0x9: {  	s31 =	simm.s32 $0x1C700;
	s29 =	simm.s32 $0x1C780;
	s18 =	simm.s32 $0x8400  }
0xa: {  	s17 =	simm.s32 $0xC400;
	p0 =	por $0x0, $0x0;
	s4 =	sand.u32 $0x1, s2  }
0xb: {  	s5 =	sshll.u32 s5, $0x1;
	s2 =	simm.s32 $0x0;
	s11 =	sadd.s32 $0x1400, s3  }
0xc: {  	s14 =	sadd.s32 $0x41400, s3;
	s5 =	sor.u32 s4, s5;
	[smem:$0x7FF] =	sst s2  }
0xd: {  	s6 =	sshll.u32 s5, $0x6;
	_ =	strace $0x80000047;
	s21 =	sshll.u32 s5, $0xD  }
0xe: {  	s0 =	sadd.s32 s0, s6;
	s20 =	sadd.s32 s1, s6;
	s22 =	sadd.s32 s11, s21  }
0xf: {  	s5 =	sor.u32 $0x800, s21;
	s12 =	sor.u32 $0x1000, s21;
	[dreg:$0x8] =	wrdreg s0  }
0x10: {  	s13 =	sor.u32 $0x1800, s21;
	s26 =	sadd.s32 s14, s21;
	[dreg:$0x9] =	wrdreg s20  }
0x11: {  	s6 =	sadd.s32 s6, s3;
	s21 =	simm.s32 $0x380;
	[dreg:$0xa] =	wrdreg s22  }
0x12: {  	s3 =	simm.s32 $0x3;
	s23 =	sadd.s32 s11, s5;
	[dreg:$0xe] =	wrdreg s26  }
0x13: {  	s24 =	sadd.s32 s11, s12;
	s25 =	sadd.s32 s11, s13;
	[dreg:$0xb] =	wrdreg s23  }
0x14: {  	s1 =	sadd.s32 s14, s5;
	s5 =	sadd.s32 s14, s12;
	[dreg:$0xc] =	wrdreg s24  }
0x15: {  	s11 =	sadd.s32 s14, s13;
	s12 =	ssub.s32 $0x2, s4;
	[dreg:$0xd] =	wrdreg s25  }
0x16: {  	s13 =	sadd.s32 $0x81400, s6;
	s14 =	sadd.s32 $0x81C00, s6;
	[dreg:$0xf] =	wrdreg s1  }
0x17: {  	s26 =	simm.s32 $0x4;
	s22 =	simm.s32 $0x100;
	[dreg:$0x10] =	wrdreg s5  }
0x18: {  	s6 =	simm.s32 $0x1C600;
	[dreg:$0x11] =	wrdreg s11;
	s4 =	sshrl.u32 s12, $0x1  }
0x19: {  	s20 =	simm.s32 $0x4400;
	[dreg:$0x12] =	wrdreg s13;
	s15 =	ssub.s32 s12, s4  }
0x1a: {  	[dreg:$0x13] =	wrdreg s14;
	s24 =	simm.s32 $0x1C480;
	s16 =	smax.u32 s15, $0x1  }
0x1b: {  	s25 =	simm.s32 $0x1C500;
	s23 =	simm.s32 $0x180;
	p1 =	sne.s32 s16, $0x1  }
.Ltmp0:
0x1c: {  	s11 =	simm.s32 $0x400;
	s0 =	rddreg [dreg:$0x8];
	(pc) =	sbr.rel @!p1 .LBB2_1-.Ltmp0, $4  }
0x1d: {  	s14 =	simm.s32 $0x14400;
	s13 =	simm.s32 $0x18400;
	[dreg:$0x14] =	wrdreg s24  }
0x1e: {  	s5 =	simm.s32 $0x2;
	s4 =	simm.s32 $0x1C400;
	[dreg:$0x15] =	wrdreg s25  }
0x1f: {  	s24 =	simm.s32 $0x280;
	s25 =	simm.s32 $0x300;
	s12 =	simm.s32 $0x1  }
0x20: {  	s15 =	simm.s32 $0x80;
	s28 =	sadd.s32 $0xFFFFFFFF, s16;
	s16 =	simm.s32 $0x10400  }
0x21: {  	[tilespmem:s2], [sflag:$0x4] =	stream.linear.gather [hbm4b:s0+s2], $0x200, $0x38;
	[tilespmem:$0x1C800] =	vst v63  }
0x22: {  	_ =	swait.ge [sflag:s26], $0x200  }
0x23: {  	[sflag:s26] =	ssyncset.done $0x0  }
0x24: {  	s1 =	rddreg [dreg:$0x9];
	[sflag:s26] =	ssyncadd.s32 $0xFFFFFE00  }
0x25: {  	[tilespmem:s19], [sflag:$0x4] =	stream.linear.gather [hbm4b:s1+s2], $0x200, $0x38;
	[tilespmem:$0x1C800] =	vst v63  }
0x26: {  	_ =	swait.ge [sflag:s26], $0x200  }
0x27: {  	[sflag:s26] =	ssyncset.done $0x0  }
0x28: {  	[sflag:s26] =	ssyncadd.s32 $0xFFFFFE00  }
0x29: {  	[tilespmem:s4], [sflag:$0x3] =	stream.indirect.gather [hbm4b:s10+s15], $0x1, s2, s15, $0xb8;
	[tilespmem:$0x1C800] =	vst v63  }
0x2a: {  	s0 =	rddreg [dreg:$0x14]  }
0x2b: {  	[tilespmem:s0], [sflag:$0x3] =	stream.indirect.gather [hbm4b:s10+s15], $0x1, s15, s15, $0xb8;
	[tilespmem:$0x1C800] =	vst v63  }
0x2c: {  	s1 =	rddreg [dreg:$0x15]  }
0x2d: {  	[tilespmem:s1], [sflag:$0x3] =	stream.indirect.gather [hbm4b:s10+s15], $0x1, s22, s15, $0xb8;
	[tilespmem:$0x1C800] =	vst v63  }
0x2e: {  	s1 =	simm.s32 $0x1C580  }
0x2f: {  	[tilespmem:s1], [sflag:$0x3] =	stream.indirect.gather [hbm4b:s10+s15], $0x1, s23, s15, $0xb8;
	[tilespmem:$0x1C800] =	vst v63  }
0x30: {  	_ = 	snop  }
0x31: {  	[tilespmem:s6], [sflag:$0x3] =	stream.indirect.gather [hbm4b:s9+s15], $0x1, s19, s15, $0xb8;
	[tilespmem:$0x1C800] =	vst v63  }
0x32: {  	_ = 	snop  }
0x33: {  	[tilespmem:s30], [sflag:$0x3] =	stream.indirect.gather [hbm4b:s9+s15], $0x1, s24, s15, $0xb8;
	[tilespmem:$0x1C800] =	vst v63  }
0x34: {  	_ = 	snop  }
0x35: {  	[tilespmem:s31], [sflag:$0x3] =	stream.indirect.gather [hbm4b:s9+s15], $0x1, s25, s15, $0xb8;
	[tilespmem:$0x1C800] =	vst v63  }
0x36: {  	_ = 	snop  }
0x37: {  	[tilespmem:s29], [sflag:$0x3] =	stream.indirect.gather [hbm4b:s9+s15], $0x1, s21, s15, $0xb8;
	[tilespmem:$0x1C800] =	vst v63  }
0x38: {  	_ = 	snop  }
0x39: {  	[tilespmem:s11], [sflag:$0x1] =	stream.indirect.gather [hbm4b:s8+s15], $0x80, s2, s15, $0xb8;
	[tilespmem:$0x1C800] =	vst v63  }
0x3a: {  	_ = 	snop  }
0x3b: {  	[tilespmem:s20], [sflag:$0x1] =	stream.indirect.gather [hbm4b:s8+s15], $0x80, s15, s15, $0xb8;
	[tilespmem:$0x1C800] =	vst v63  }
0x3c: {  	_ = 	snop  }
0x3d: {  	[tilespmem:s18], [sflag:$0x1] =	stream.indirect.gather [hbm4b:s8+s15], $0x80, s22, s15, $0xb8;
	[tilespmem:$0x1C800] =	vst v63  }
0x3e: {  	_ = 	snop  }
0x3f: {  	[tilespmem:s17], [sflag:$0x1] =	stream.indirect.gather [hbm4b:s8+s15], $0x80, s23, s15, $0xb8;
	[tilespmem:$0x1C800] =	vst v63  }
0x40: {  	_ = 	snop  }
0x41: {  	[tilespmem:s16], [sflag:$0x1] =	stream.indirect.gather [hbm4b:s7+s15], $0x80, s19, s15, $0xb8;
	[tilespmem:$0x1C800] =	vst v63  }
0x42: {  	_ = 	snop  }
0x43: {  	[tilespmem:s14], [sflag:$0x1] =	stream.indirect.gather [hbm4b:s7+s15], $0x80, s24, s15, $0xb8;
	[tilespmem:$0x1C800] =	vst v63  }
0x44: {  	_ = 	snop  }
0x45: {  	[tilespmem:s13], [sflag:$0x1] =	stream.indirect.gather [hbm4b:s7+s15], $0x80, s25, s15, $0xb8;
	[tilespmem:$0x1C800] =	vst v63  }
0x46: {  	_ =	swait.ge [sflag:s12], $0x4000  }
0x47: {  	[sflag:s12] =	ssyncset.done $0x0  }
0x48: {  	s1 =	rddreg [dreg:$0xa];
	[sflag:s12] =	ssyncadd.s32 $0xFFFFC000  }
0x49: {  	[hbm4b:s1+s2] =	stream.linear.scatter [tilespmem:s11], [sflag:$0x2], $0x4000, $0x38;
	[tilespmem:$0x1C800] =	vst v63  }
0x4a: {  	_ =	swait.ge [sflag:s5], $0x4000  }
0x4b: {  	[sflag:s5] =	ssyncset.done $0x0  }
0x4c: {  	[sflag:s5] =	ssyncadd.s32 $0xFFFFC000  }
0x4d: {  	[tilespmem:s11], [sflag:$0x1] =	stream.indirect.gather [hbm4b:s7+s15], $0x80, s21, s15, $0xb8;
	[tilespmem:$0x1C800] =	vst v63  }
0x4e: {  	_ =	swait.ge [sflag:s12], $0x4000  }
0x4f: {  	[sflag:s12] =	ssyncset.done $0x0  }
0x50: {  	s1 =	rddreg [dreg:$0xb];
	[sflag:s12] =	ssyncadd.s32 $0xFFFFC000  }
0x51: {  	[hbm4b:s1+s2] =	stream.linear.scatter [tilespmem:s20], [sflag:$0x2], $0x4000, $0x38;
	[tilespmem:$0x1C800] =	vst v63  }
0x52: {  	_ =	swait.ge [sflag:s12], $0x4000  }
0x53: {  	[sflag:s12] =	ssyncset.done $0x0  }
0x54: {  	s1 =	rddreg [dreg:$0xc];
	[sflag:s12] =	ssyncadd.s32 $0xFFFFC000  }
0x55: {  	[hbm4b:s1+s2] =	stream.linear.scatter [tilespmem:s18], [sflag:$0x2], $0x4000, $0x38;
	[tilespmem:$0x1C800] =	vst v63  }
0x56: {  	_ =	swait.ge [sflag:s12], $0x4000  }
0x57: {  	[sflag:s12] =	ssyncset.done $0x0  }
0x58: {  	s1 =	rddreg [dreg:$0xd];
	[sflag:s12] =	ssyncadd.s32 $0xFFFFC000  }
0x59: {  	[hbm4b:s1+s2] =	stream.linear.scatter [tilespmem:s17], [sflag:$0x2], $0x4000, $0x38;
	[tilespmem:$0x1C800] =	vst v63  }
0x5a: {  	_ =	swait.ge [sflag:s12], $0x4000  }
0x5b: {  	[sflag:s12] =	ssyncset.done $0x0  }
0x5c: {  	s1 =	rddreg [dreg:$0xe];
	[sflag:s12] =	ssyncadd.s32 $0xFFFFC000  }
0x5d: {  	[hbm4b:s1+s2] =	stream.linear.scatter [tilespmem:s16], [sflag:$0x2], $0x4000, $0x38;
	[tilespmem:$0x1C800] =	vst v63  }
0x5e: {  	_ =	swait.ge [sflag:s12], $0x4000  }
0x5f: {  	[sflag:s12] =	ssyncset.done $0x0  }
0x60: {  	s1 =	rddreg [dreg:$0xf];
	[sflag:s12] =	ssyncadd.s32 $0xFFFFC000  }
0x61: {  	[hbm4b:s1+s2] =	stream.linear.scatter [tilespmem:s14], [sflag:$0x2], $0x4000, $0x38;
	[tilespmem:$0x1C800] =	vst v63  }
0x62: {  	_ =	swait.ge [sflag:s12], $0x4000  }
0x63: {  	[sflag:s12] =	ssyncset.done $0x0  }
0x64: {  	s1 =	rddreg [dreg:$0x10];
	[sflag:s12] =	ssyncadd.s32 $0xFFFFC000  }
0x65: {  	[hbm4b:s1+s2] =	stream.linear.scatter [tilespmem:s13], [sflag:$0x2], $0x4000, $0x38;
	[tilespmem:$0x1C800] =	vst v63  }
0x66: {  	_ =	swait.ge [sflag:s12], $0x4000  }
0x67: {  	[sflag:s12] =	ssyncset.done $0x0  }
0x68: {  	s1 =	rddreg [dreg:$0x11];
	[sflag:s12] =	ssyncadd.s32 $0xFFFFC000  }
0x69: {  	[hbm4b:s1+s2] =	stream.linear.scatter [tilespmem:s11], [sflag:$0x2], $0x4000, $0x38;
	[tilespmem:$0x1C800] =	vst v63  }
0x6a: {  	_ =	swait.ge [sflag:s3], $0x80  }
0x6b: {  	[sflag:s3] =	ssyncset.done $0x0  }
0x6c: {  	[sflag:s3] =	ssyncadd.s32 $0xFFFFFF80  }
0x6d: {  	_ =	swait.ge [sflag:s3], $0x80  }
0x6e: {  	[sflag:s3] =	ssyncset.done $0x0  }
0x6f: {  	[sflag:s3] =	ssyncadd.s32 $0xFFFFFF80  }
0x70: {  	_ =	swait.ge [sflag:s3], $0x80  }
0x71: {  	[sflag:s3] =	ssyncset.done $0x0  }
0x72: {  	[sflag:s3] =	ssyncadd.s32 $0xFFFFFF80  }
0x73: {  	_ =	swait.ge [sflag:s3], $0x80  }
0x74: {  	[sflag:s3] =	ssyncset.done $0x0  }
0x75: {  	[sflag:s3] =	ssyncadd.s32 $0xFFFFFF80  }
0x76: {  	_ =	swait.ge [sflag:s3], $0x80  }
0x77: {  	[sflag:s3] =	ssyncset.done $0x0  }
0x78: {  	[sflag:s3] =	ssyncadd.s32 $0xFFFFFF80  }
0x79: {  	_ =	swait.ge [sflag:s3], $0x80  }
0x7a: {  	[sflag:s3] =	ssyncset.done $0x0  }
0x7b: {  	[sflag:s3] =	ssyncadd.s32 $0xFFFFFF80  }
0x7c: {  	_ =	swait.ge [sflag:s3], $0x80  }
0x7d: {  	[sflag:s3] =	ssyncset.done $0x0  }
0x7e: {  	[sflag:s3] =	ssyncadd.s32 $0xFFFFFF80  }
0x7f: {  	_ =	swait.ge [sflag:s3], $0x80  }
0x80: {  	[sflag:s3] =	ssyncset.done $0x0  }
0x81: {  	s0 =	rddreg [dreg:$0x12];
	[sflag:s3] =	ssyncadd.s32 $0xFFFFFF80  }
0x82: {  	[hbm4b:s0+s2] =	stream.linear.scatter [tilespmem:s4], [sflag:$0x3], $0x200, $0x38;
	[tilespmem:$0x1C800] =	vst v63  }
0x83: {  	s1 =	rddreg [dreg:$0x13]  }
0x84: {  	[hbm4b:s1+s2] =	stream.linear.scatter [tilespmem:s6], [sflag:$0x3], $0x200, $0x38;
	[tilespmem:$0x1C800] =	vst v63  }
0x85: {  	_ =	swait.ge [sflag:s5], $0x4000  }
0x86: {  	[sflag:s5] =	ssyncset.done $0x0  }
0x87: {  	[sflag:s5] =	ssyncadd.s32 $0xFFFFC000  }
0x88: {  	_ =	swait.ge [sflag:s5], $0x4000  }
0x89: {  	[sflag:s5] =	ssyncset.done $0x0  }
0x8a: {  	[sflag:s5] =	ssyncadd.s32 $0xFFFFC000  }
0x8b: {  	_ =	swait.ge [sflag:s5], $0x4000  }
0x8c: {  	[sflag:s5] =	ssyncset.done $0x0  }
0x8d: {  	[sflag:s5] =	ssyncadd.s32 $0xFFFFC000  }
0x8e: {  	_ =	swait.ge [sflag:s5], $0x4000  }
0x8f: {  	[sflag:s5] =	ssyncset.done $0x0  }
0x90: {  	[sflag:s5] =	ssyncadd.s32 $0xFFFFC000  }
0x91: {  	_ =	swait.ge [sflag:s5], $0x4000  }
0x92: {  	[sflag:s5] =	ssyncset.done $0x0  }
0x93: {  	[sflag:s5] =	ssyncadd.s32 $0xFFFFC000  }
0x94: {  	_ =	swait.ge [sflag:s5], $0x4000  }
0x95: {  	[sflag:s5] =	ssyncset.done $0x0  }
0x96: {  	[sflag:s5] =	ssyncadd.s32 $0xFFFFC000  }
0x97: {  	_ =	swait.ge [sflag:s5], $0x4000  }
0x98: {  	[sflag:s5] =	ssyncset.done $0x0  }
0x99: {  	p1 =	sne.s32 s28, $0x1;
	[sflag:s5] =	ssyncadd.s32 $0xFFFFC000  }
.Ltmp1:
0x9a: {  	_ =	swait.ge [sflag:s3], $0x200;
	(pc) =	sbr.rel @!p1 .LBB2_3-.Ltmp1, $4  }
0x9b: {  	[sflag:s3] =	ssyncset.done $0x0  }
0x9c: {  	[sflag:s3] =	ssyncadd.s32 $0xFFFFFE00  }
0x9d: {  	p0 =	por $0x1, $0x1;
	_ =	swait.ge [sflag:s3], $0x200  }
0x9e: {  	s1 =	sadd.s32 $0xFFFFFFFF, s28;
	s0 =	rddreg [dreg:$0x8];
	[sflag:s3] =	ssyncset.done $0x0  }
.LBB2_4:
0x9f: {  	[sflag:s3] =	ssyncadd.s32 $0xFFFFFE00  }
0xa0: {  	[tilespmem:s2], [sflag:$0x4] =	stream.linear.gather [hbm4b:s0+s2], $0x200, $0x38;
	[tilespmem:$0x1C800] =	vst v63  }
0xa1: {  	_ =	swait.ge [sflag:s26], $0x200  }
0xa2: {  	[sflag:s26] =	ssyncset.done $0x0  }
0xa3: {  	s28 =	rddreg [dreg:$0x9];
	[sflag:s26] =	ssyncadd.s32 $0xFFFFFE00  }
0xa4: {  	[tilespmem:s19], [sflag:$0x4] =	stream.linear.gather [hbm4b:s28+s2], $0x200, $0x38;
	[tilespmem:$0x1C800] =	vst v63  }
0xa5: {  	_ =	swait.ge [sflag:s26], $0x200  }
0xa6: {  	[sflag:s26] =	ssyncset.done $0x0  }
0xa7: {  	[sflag:s26] =	ssyncadd.s32 $0xFFFFFE00  }
0xa8: {  	[tilespmem:s4], [sflag:$0x3] =	stream.indirect.gather [hbm4b:s10+s15], $0x1, s2, s15, $0xb8;
	[tilespmem:$0x1C800] =	vst v63  }
0xa9: {  	s0 =	rddreg [dreg:$0x14]  }
0xaa: {  	[tilespmem:s0], [sflag:$0x3] =	stream.indirect.gather [hbm4b:s10+s15], $0x1, s15, s15, $0xb8;
	[tilespmem:$0x1C800] =	vst v63  }
0xab: {  	s28 =	rddreg [dreg:$0x15]  }
0xac: {  	[tilespmem:s28], [sflag:$0x3] =	stream.indirect.gather [hbm4b:s10+s15], $0x1, s22, s15, $0xb8;
	[tilespmem:$0x1C800] =	vst v63  }
0xad: {  	s28 =	simm.s32 $0x1C580  }
0xae: {  	[tilespmem:s28], [sflag:$0x3] =	stream.indirect.gather [hbm4b:s10+s15], $0x1, s23, s15, $0xb8;
	[tilespmem:$0x1C800] =	vst v63  }
0xaf: {  	_ = 	snop  }
0xb0: {  	[tilespmem:s6], [sflag:$0x3] =	stream.indirect.gather [hbm4b:s9+s15], $0x1, s19, s15, $0xb8;
	[tilespmem:$0x1C800] =	vst v63  }
0xb1: {  	_ = 	snop  }
0xb2: {  	[tilespmem:s30], [sflag:$0x3] =	stream.indirect.gather [hbm4b:s9+s15], $0x1, s24, s15, $0xb8;
	[tilespmem:$0x1C800] =	vst v63  }
0xb3: {  	_ = 	snop  }
0xb4: {  	[tilespmem:s31], [sflag:$0x3] =	stream.indirect.gather [hbm4b:s9+s15], $0x1, s25, s15, $0xb8;
	[tilespmem:$0x1C800] =	vst v63  }
0xb5: {  	_ = 	snop  }
0xb6: {  	[tilespmem:s29], [sflag:$0x3] =	stream.indirect.gather [hbm4b:s9+s15], $0x1, s21, s15, $0xb8;
	[tilespmem:$0x1C800] =	vst v63  }
0xb7: {  	_ = 	snop  }
0xb8: {  	[tilespmem:s11], [sflag:$0x1] =	stream.indirect.gather [hbm4b:s8+s15], $0x80, s2, s15, $0xb8;
	[tilespmem:$0x1C800] =	vst v63  }
0xb9: {  	_ = 	snop  }
0xba: {  	[tilespmem:s20], [sflag:$0x1] =	stream.indirect.gather [hbm4b:s8+s15], $0x80, s15, s15, $0xb8;
	[tilespmem:$0x1C800] =	vst v63  }
0xbb: {  	_ = 	snop  }
0xbc: {  	[tilespmem:s18], [sflag:$0x1] =	stream.indirect.gather [hbm4b:s8+s15], $0x80, s22, s15, $0xb8;
	[tilespmem:$0x1C800] =	vst v63  }
0xbd: {  	_ = 	snop  }
0xbe: {  	[tilespmem:s17], [sflag:$0x1] =	stream.indirect.gather [hbm4b:s8+s15], $0x80, s23, s15, $0xb8;
	[tilespmem:$0x1C800] =	vst v63  }
0xbf: {  	_ = 	snop  }
0xc0: {  	[tilespmem:s16], [sflag:$0x1] =	stream.indirect.gather [hbm4b:s7+s15], $0x80, s19, s15, $0xb8;
	[tilespmem:$0x1C800] =	vst v63  }
0xc1: {  	_ = 	snop  }
0xc2: {  	[tilespmem:s14], [sflag:$0x1] =	stream.indirect.gather [hbm4b:s7+s15], $0x80, s24, s15, $0xb8;
	[tilespmem:$0x1C800] =	vst v63  }
0xc3: {  	_ = 	snop  }
0xc4: {  	[tilespmem:s13], [sflag:$0x1] =	stream.indirect.gather [hbm4b:s7+s15], $0x80, s25, s15, $0xb8;
	[tilespmem:$0x1C800] =	vst v63  }
0xc5: {  	_ =	swait.ge [sflag:s12], $0x4000  }
0xc6: {  	[sflag:s12] =	ssyncset.done $0x0  }
0xc7: {  	s28 =	rddreg [dreg:$0xa];
	[sflag:s12] =	ssyncadd.s32 $0xFFFFC000  }
0xc8: {  	[hbm4b:s28+s2] =	stream.linear.scatter [tilespmem:s11], [sflag:$0x2], $0x4000, $0x38;
	[tilespmem:$0x1C800] =	vst v63  }
0xc9: {  	_ =	swait.ge [sflag:s5], $0x4000  }
0xca: {  	[sflag:s5] =	ssyncset.done $0x0  }
0xcb: {  	[sflag:s5] =	ssyncadd.s32 $0xFFFFC000  }
0xcc: {  	[tilespmem:s11], [sflag:$0x1] =	stream.indirect.gather [hbm4b:s7+s15], $0x80, s21, s15, $0xb8;
	[tilespmem:$0x1C800] =	vst v63  }
0xcd: {  	_ =	swait.ge [sflag:s12], $0x4000  }
0xce: {  	[sflag:s12] =	ssyncset.done $0x0  }
0xcf: {  	s28 =	rddreg [dreg:$0xb];
	[sflag:s12] =	ssyncadd.s32 $0xFFFFC000  }
0xd0: {  	[hbm4b:s28+s2] =	stream.linear.scatter [tilespmem:s20], [sflag:$0x2], $0x4000, $0x38;
	[tilespmem:$0x1C800] =	vst v63  }
0xd1: {  	_ =	swait.ge [sflag:s12], $0x4000  }
0xd2: {  	[sflag:s12] =	ssyncset.done $0x0  }
0xd3: {  	s28 =	rddreg [dreg:$0xc];
	[sflag:s12] =	ssyncadd.s32 $0xFFFFC000  }
0xd4: {  	[hbm4b:s28+s2] =	stream.linear.scatter [tilespmem:s18], [sflag:$0x2], $0x4000, $0x38;
	[tilespmem:$0x1C800] =	vst v63  }
0xd5: {  	_ =	swait.ge [sflag:s12], $0x4000  }
0xd6: {  	[sflag:s12] =	ssyncset.done $0x0  }
0xd7: {  	s28 =	rddreg [dreg:$0xd];
	[sflag:s12] =	ssyncadd.s32 $0xFFFFC000  }
0xd8: {  	[hbm4b:s28+s2] =	stream.linear.scatter [tilespmem:s17], [sflag:$0x2], $0x4000, $0x38;
	[tilespmem:$0x1C800] =	vst v63  }
0xd9: {  	_ =	swait.ge [sflag:s12], $0x4000  }
0xda: {  	[sflag:s12] =	ssyncset.done $0x0  }
0xdb: {  	s28 =	rddreg [dreg:$0xe];
	[sflag:s12] =	ssyncadd.s32 $0xFFFFC000  }
0xdc: {  	[hbm4b:s28+s2] =	stream.linear.scatter [tilespmem:s16], [sflag:$0x2], $0x4000, $0x38;
	[tilespmem:$0x1C800] =	vst v63  }
0xdd: {  	_ =	swait.ge [sflag:s12], $0x4000  }
0xde: {  	[sflag:s12] =	ssyncset.done $0x0  }
0xdf: {  	s28 =	rddreg [dreg:$0xf];
	[sflag:s12] =	ssyncadd.s32 $0xFFFFC000  }
0xe0: {  	[hbm4b:s28+s2] =	stream.linear.scatter [tilespmem:s14], [sflag:$0x2], $0x4000, $0x38;
	[tilespmem:$0x1C800] =	vst v63  }
0xe1: {  	_ =	swait.ge [sflag:s12], $0x4000  }
0xe2: {  	[sflag:s12] =	ssyncset.done $0x0  }
0xe3: {  	s28 =	rddreg [dreg:$0x10];
	[sflag:s12] =	ssyncadd.s32 $0xFFFFC000  }
0xe4: {  	[hbm4b:s28+s2] =	stream.linear.scatter [tilespmem:s13], [sflag:$0x2], $0x4000, $0x38;
	[tilespmem:$0x1C800] =	vst v63  }
0xe5: {  	_ =	swait.ge [sflag:s12], $0x4000  }
0xe6: {  	[sflag:s12] =	ssyncset.done $0x0  }
0xe7: {  	s28 =	rddreg [dreg:$0x11];
	[sflag:s12] =	ssyncadd.s32 $0xFFFFC000  }
0xe8: {  	[hbm4b:s28+s2] =	stream.linear.scatter [tilespmem:s11], [sflag:$0x2], $0x4000, $0x38;
	[tilespmem:$0x1C800] =	vst v63  }
0xe9: {  	_ =	swait.ge [sflag:s3], $0x80  }
0xea: {  	[sflag:s3] =	ssyncset.done $0x0  }
0xeb: {  	[sflag:s3] =	ssyncadd.s32 $0xFFFFFF80  }
0xec: {  	_ =	swait.ge [sflag:s3], $0x80  }
0xed: {  	[sflag:s3] =	ssyncset.done $0x0  }
0xee: {  	[sflag:s3] =	ssyncadd.s32 $0xFFFFFF80  }
0xef: {  	_ =	swait.ge [sflag:s3], $0x80  }
0xf0: {  	[sflag:s3] =	ssyncset.done $0x0  }
0xf1: {  	[sflag:s3] =	ssyncadd.s32 $0xFFFFFF80  }
0xf2: {  	_ =	swait.ge [sflag:s3], $0x80  }
0xf3: {  	[sflag:s3] =	ssyncset.done $0x0  }
0xf4: {  	[sflag:s3] =	ssyncadd.s32 $0xFFFFFF80  }
0xf5: {  	_ =	swait.ge [sflag:s3], $0x80  }
0xf6: {  	[sflag:s3] =	ssyncset.done $0x0  }
0xf7: {  	[sflag:s3] =	ssyncadd.s32 $0xFFFFFF80  }
0xf8: {  	_ =	swait.ge [sflag:s3], $0x80  }
0xf9: {  	[sflag:s3] =	ssyncset.done $0x0  }
0xfa: {  	[sflag:s3] =	ssyncadd.s32 $0xFFFFFF80  }
0xfb: {  	_ =	swait.ge [sflag:s3], $0x80  }
0xfc: {  	[sflag:s3] =	ssyncset.done $0x0  }
0xfd: {  	[sflag:s3] =	ssyncadd.s32 $0xFFFFFF80  }
0xfe: {  	_ =	swait.ge [sflag:s3], $0x80  }
0xff: {  	[sflag:s3] =	ssyncset.done $0x0  }
0x100: {  	s0 =	rddreg [dreg:$0x12];
	[sflag:s3] =	ssyncadd.s32 $0xFFFFFF80  }
0x101: {  	[hbm4b:s0+s2] =	stream.linear.scatter [tilespmem:s4], [sflag:$0x3], $0x200, $0x38;
	[tilespmem:$0x1C800] =	vst v63  }
0x102: {  	s28 =	rddreg [dreg:$0x13]  }
0x103: {  	[hbm4b:s28+s2] =	stream.linear.scatter [tilespmem:s6], [sflag:$0x3], $0x200, $0x38;
	[tilespmem:$0x1C800] =	vst v63  }
0x104: {  	_ =	swait.ge [sflag:s5], $0x4000  }
0x105: {  	[sflag:s5] =	ssyncset.done $0x0  }
0x106: {  	[sflag:s5] =	ssyncadd.s32 $0xFFFFC000  }
0x107: {  	_ =	swait.ge [sflag:s5], $0x4000  }
0x108: {  	[sflag:s5] =	ssyncset.done $0x0  }
0x109: {  	[sflag:s5] =	ssyncadd.s32 $0xFFFFC000  }
0x10a: {  	_ =	swait.ge [sflag:s5], $0x4000  }
0x10b: {  	[sflag:s5] =	ssyncset.done $0x0  }
0x10c: {  	[sflag:s5] =	ssyncadd.s32 $0xFFFFC000  }
0x10d: {  	_ =	swait.ge [sflag:s5], $0x4000  }
0x10e: {  	[sflag:s5] =	ssyncset.done $0x0  }
0x10f: {  	[sflag:s5] =	ssyncadd.s32 $0xFFFFC000  }
0x110: {  	_ =	swait.ge [sflag:s5], $0x4000  }
0x111: {  	[sflag:s5] =	ssyncset.done $0x0  }
0x112: {  	[sflag:s5] =	ssyncadd.s32 $0xFFFFC000  }
0x113: {  	_ =	swait.ge [sflag:s5], $0x4000  }
0x114: {  	[sflag:s5] =	ssyncset.done $0x0  }
0x115: {  	[sflag:s5] =	ssyncadd.s32 $0xFFFFC000  }
0x116: {  	_ =	swait.ge [sflag:s5], $0x4000  }
0x117: {  	[sflag:s5] =	ssyncset.done $0x0  }
0x118: {  	p1 =	sne.s32 s1, $0x1;
	[sflag:s5] =	ssyncadd.s32 $0xFFFFC000  }
.Ltmp2:
0x119: {  	_ =	swait.ge [sflag:s3], $0x200;
	(pc) =	sbr.rel @p1 .LBB2_4-.Ltmp2, $4  }
0x11a: {  	[sflag:s3] =	ssyncset.done $0x0  }
0x11b: {  	[sflag:s3] =	ssyncadd.s32 $0xFFFFFE00  }
0x11c: {  	_ =	swait.ge [sflag:s3], $0x200  }
0x11d: {  	s1 =	sadd.s32 $0xFFFFFFFF, s1;
	s0 =	rddreg [dreg:$0x8];
	[sflag:s3] =	ssyncset.done $0x0  }
0x11e: {  	s28 =	simm.s32 $0x1C780  }
0x11f: {  	s31 =	simm.s32 $0x1C700;
	s30 =	simm.s32 $0x1C680;
	s29 =	simm.s32 $0x1C580  }
.LBB2_6:
0x120: {  	[sflag:s3] =	ssyncadd.s32 @p0 $0xFFFFFE00  }
0x121: {  	[tilespmem:s2], [sflag:$0x4] =	stream.linear.gather [hbm4b:s0+s2], $0x200, $0x38;
	[tilespmem:$0x1C800] =	vst v63  }
0x122: {  	_ =	swait.ge [sflag:s26], $0x200  }
0x123: {  	[sflag:s26] =	ssyncset.done $0x0  }
0x124: {  	s1 =	rddreg [dreg:$0x9];
	[sflag:s26] =	ssyncadd.s32 $0xFFFFFE00  }
0x125: {  	[tilespmem:s19], [sflag:$0x4] =	stream.linear.gather [hbm4b:s1+s2], $0x200, $0x38;
	[tilespmem:$0x1C800] =	vst v63  }
0x126: {  	_ =	swait.ge [sflag:s26], $0x200  }
0x127: {  	[sflag:s26] =	ssyncset.done $0x0  }
0x128: {  	[sflag:s26] =	ssyncadd.s32 $0xFFFFFE00  }
0x129: {  	[tilespmem:s4], [sflag:$0x3] =	stream.indirect.gather [hbm4b:s10+s15], $0x1, s2, s15, $0xb8;
	[tilespmem:$0x1C800] =	vst v63  }
0x12a: {  	s26 =	rddreg [dreg:$0x14]  }
0x12b: {  	[tilespmem:s26], [sflag:$0x3] =	stream.indirect.gather [hbm4b:s10+s15], $0x1, s15, s15, $0xb8;
	[tilespmem:$0x1C800] =	vst v63  }
0x12c: {  	s1 =	rddreg [dreg:$0x15]  }
0x12d: {  	[tilespmem:s1], [sflag:$0x3] =	stream.indirect.gather [hbm4b:s10+s15], $0x1, s22, s15, $0xb8;
	[tilespmem:$0x1C800] =	vst v63  }
0x12e: {  	_ = 	snop  }
0x12f: {  	[tilespmem:s29], [sflag:$0x3] =	stream.indirect.gather [hbm4b:s10+s15], $0x1, s23, s15, $0xb8;
	[tilespmem:$0x1C800] =	vst v63  }
0x130: {  	_ = 	snop  }
0x131: {  	[tilespmem:s6], [sflag:$0x3] =	stream.indirect.gather [hbm4b:s9+s15], $0x1, s19, s15, $0xb8;
	[tilespmem:$0x1C800] =	vst v63  }
0x132: {  	_ = 	snop  }
0x133: {  	[tilespmem:s30], [sflag:$0x3] =	stream.indirect.gather [hbm4b:s9+s15], $0x1, s24, s15, $0xb8;
	[tilespmem:$0x1C800] =	vst v63  }
0x134: {  	_ = 	snop  }
0x135: {  	[tilespmem:s31], [sflag:$0x3] =	stream.indirect.gather [hbm4b:s9+s15], $0x1, s25, s15, $0xb8;
	[tilespmem:$0x1C800] =	vst v63  }
0x136: {  	_ = 	snop  }
0x137: {  	[tilespmem:s28], [sflag:$0x3] =	stream.indirect.gather [hbm4b:s9+s15], $0x1, s21, s15, $0xb8;
	[tilespmem:$0x1C800] =	vst v63  }
0x138: {  	_ = 	snop  }
0x139: {  	[tilespmem:s11], [sflag:$0x1] =	stream.indirect.gather [hbm4b:s8+s15], $0x80, s2, s15, $0xb8;
	[tilespmem:$0x1C800] =	vst v63  }
0x13a: {  	_ = 	snop  }
0x13b: {  	[tilespmem:s20], [sflag:$0x1] =	stream.indirect.gather [hbm4b:s8+s15], $0x80, s15, s15, $0xb8;
	[tilespmem:$0x1C800] =	vst v63  }
0x13c: {  	_ = 	snop  }
0x13d: {  	[tilespmem:s18], [sflag:$0x1] =	stream.indirect.gather [hbm4b:s8+s15], $0x80, s22, s15, $0xb8;
	[tilespmem:$0x1C800] =	vst v63  }
0x13e: {  	_ = 	snop  }
0x13f: {  	[tilespmem:s17], [sflag:$0x1] =	stream.indirect.gather [hbm4b:s8+s15], $0x80, s23, s15, $0xb8;
	[tilespmem:$0x1C800] =	vst v63  }
0x140: {  	_ = 	snop  }
0x141: {  	[tilespmem:s16], [sflag:$0x1] =	stream.indirect.gather [hbm4b:s7+s15], $0x80, s19, s15, $0xb8;
	[tilespmem:$0x1C800] =	vst v63  }
0x142: {  	_ = 	snop  }
0x143: {  	[tilespmem:s14], [sflag:$0x1] =	stream.indirect.gather [hbm4b:s7+s15], $0x80, s24, s15, $0xb8;
	[tilespmem:$0x1C800] =	vst v63  }
0x144: {  	_ = 	snop  }
0x145: {  	[tilespmem:s13], [sflag:$0x1] =	stream.indirect.gather [hbm4b:s7+s15], $0x80, s25, s15, $0xb8;
	[tilespmem:$0x1C800] =	vst v63  }
0x146: {  	_ =	swait.ge [sflag:s12], $0x4000  }
0x147: {  	[sflag:s12] =	ssyncset.done $0x0  }
0x148: {  	s19 =	rddreg [dreg:$0xa];
	[sflag:s12] =	ssyncadd.s32 $0xFFFFC000  }
0x149: {  	[hbm4b:s19+s2] =	stream.linear.scatter [tilespmem:s11], [sflag:$0x2], $0x4000, $0x38;
	[tilespmem:$0x1C800] =	vst v63  }
0x14a: {  	_ =	swait.ge [sflag:s5], $0x4000  }
0x14b: {  	[sflag:s5] =	ssyncset.done $0x0  }
0x14c: {  	[sflag:s5] =	ssyncadd.s32 $0xFFFFC000  }
0x14d: {  	[tilespmem:s11], [sflag:$0x1] =	stream.indirect.gather [hbm4b:s7+s15], $0x80, s21, s15, $0xb8;
	[tilespmem:$0x1C800] =	vst v63  }
0x14e: {  	_ =	swait.ge [sflag:s12], $0x4000  }
0x14f: {  	[sflag:s12] =	ssyncset.done $0x0  }
0x150: {  	s21 =	rddreg [dreg:$0xb];
	[sflag:s12] =	ssyncadd.s32 $0xFFFFC000  }
0x151: {  	[hbm4b:s21+s2] =	stream.linear.scatter [tilespmem:s20], [sflag:$0x2], $0x4000, $0x38;
	[tilespmem:$0x1C800] =	vst v63  }
0x152: {  	_ =	swait.ge [sflag:s12], $0x4000  }
0x153: {  	[sflag:s12] =	ssyncset.done $0x0  }
0x154: {  	s22 =	rddreg [dreg:$0xc];
	[sflag:s12] =	ssyncadd.s32 $0xFFFFC000  }
0x155: {  	[hbm4b:s22+s2] =	stream.linear.scatter [tilespmem:s18], [sflag:$0x2], $0x4000, $0x38;
	[tilespmem:$0x1C800] =	vst v63  }
0x156: {  	_ =	swait.ge [sflag:s12], $0x4000  }
0x157: {  	[sflag:s12] =	ssyncset.done $0x0  }
0x158: {  	s23 =	rddreg [dreg:$0xd];
	[sflag:s12] =	ssyncadd.s32 $0xFFFFC000  }
0x159: {  	[hbm4b:s23+s2] =	stream.linear.scatter [tilespmem:s17], [sflag:$0x2], $0x4000, $0x38;
	[tilespmem:$0x1C800] =	vst v63  }
0x15a: {  	_ =	swait.ge [sflag:s12], $0x4000  }
0x15b: {  	[sflag:s12] =	ssyncset.done $0x0  }
0x15c: {  	s24 =	rddreg [dreg:$0xe];
	[sflag:s12] =	ssyncadd.s32 $0xFFFFC000  }
0x15d: {  	[hbm4b:s24+s2] =	stream.linear.scatter [tilespmem:s16], [sflag:$0x2], $0x4000, $0x38;
	[tilespmem:$0x1C800] =	vst v63  }
0x15e: {  	_ =	swait.ge [sflag:s12], $0x4000  }
0x15f: {  	[sflag:s12] =	ssyncset.done $0x0  }
0x160: {  	s25 =	rddreg [dreg:$0xf];
	[sflag:s12] =	ssyncadd.s32 $0xFFFFC000  }
0x161: {  	[hbm4b:s25+s2] =	stream.linear.scatter [tilespmem:s14], [sflag:$0x2], $0x4000, $0x38;
	[tilespmem:$0x1C800] =	vst v63  }
0x162: {  	_ =	swait.ge [sflag:s12], $0x4000  }
0x163: {  	[sflag:s12] =	ssyncset.done $0x0  }
0x164: {  	s26 =	rddreg [dreg:$0x10];
	[sflag:s12] =	ssyncadd.s32 $0xFFFFC000  }
0x165: {  	[hbm4b:s26+s2] =	stream.linear.scatter [tilespmem:s13], [sflag:$0x2], $0x4000, $0x38;
	[tilespmem:$0x1C800] =	vst v63  }
0x166: {  	_ =	swait.ge [sflag:s12], $0x4000  }
0x167: {  	[sflag:s12] =	ssyncset.done $0x0  }
0x168: {  	s28 =	rddreg [dreg:$0x11];
	[sflag:s12] =	ssyncadd.s32 $0xFFFFC000  }
0x169: {  	[hbm4b:s28+s2] =	stream.linear.scatter [tilespmem:s11], [sflag:$0x2], $0x4000, $0x38;
	[tilespmem:$0x1C800] =	vst v63  }
0x16a: {  	_ =	swait.ge [sflag:s3], $0x80  }
0x16b: {  	[sflag:s3] =	ssyncset.done $0x0  }
0x16c: {  	[sflag:s3] =	ssyncadd.s32 $0xFFFFFF80  }
0x16d: {  	_ =	swait.ge [sflag:s3], $0x80  }
0x16e: {  	[sflag:s3] =	ssyncset.done $0x0  }
0x16f: {  	[sflag:s3] =	ssyncadd.s32 $0xFFFFFF80  }
0x170: {  	_ =	swait.ge [sflag:s3], $0x80  }
0x171: {  	[sflag:s3] =	ssyncset.done $0x0  }
0x172: {  	[sflag:s3] =	ssyncadd.s32 $0xFFFFFF80  }
0x173: {  	_ =	swait.ge [sflag:s3], $0x80  }
0x174: {  	[sflag:s3] =	ssyncset.done $0x0  }
0x175: {  	[sflag:s3] =	ssyncadd.s32 $0xFFFFFF80  }
0x176: {  	_ =	swait.ge [sflag:s3], $0x80  }
0x177: {  	[sflag:s3] =	ssyncset.done $0x0  }
0x178: {  	[sflag:s3] =	ssyncadd.s32 $0xFFFFFF80  }
0x179: {  	_ =	swait.ge [sflag:s3], $0x80  }
0x17a: {  	[sflag:s3] =	ssyncset.done $0x0  }
0x17b: {  	[sflag:s3] =	ssyncadd.s32 $0xFFFFFF80  }
0x17c: {  	_ =	swait.ge [sflag:s3], $0x80  }
0x17d: {  	[sflag:s3] =	ssyncset.done $0x0  }
0x17e: {  	[sflag:s3] =	ssyncadd.s32 $0xFFFFFF80  }
0x17f: {  	_ =	swait.ge [sflag:s3], $0x80  }
0x180: {  	[sflag:s3] =	ssyncset.done $0x0  }
0x181: {  	s29 =	rddreg [dreg:$0x12];
	[sflag:s3] =	ssyncadd.s32 $0xFFFFFF80  }
0x182: {  	[hbm4b:s29+s2] =	stream.linear.scatter [tilespmem:s4], [sflag:$0x3], $0x200, $0x38;
	[tilespmem:$0x1C800] =	vst v63  }
0x183: {  	s30 =	rddreg [dreg:$0x13]  }
0x184: {  	[hbm4b:s30+s2] =	stream.linear.scatter [tilespmem:s6], [sflag:$0x3], $0x200, $0x38;
	[tilespmem:$0x1C800] =	vst v63  }
0x185: {  	_ =	swait.ge [sflag:s5], $0x4000  }
0x186: {  	[sflag:s5] =	ssyncset.done $0x0  }
0x187: {  	[sflag:s5] =	ssyncadd.s32 $0xFFFFC000  }
0x188: {  	_ =	swait.ge [sflag:s5], $0x4000  }
0x189: {  	[sflag:s5] =	ssyncset.done $0x0  }
0x18a: {  	[sflag:s5] =	ssyncadd.s32 $0xFFFFC000  }
0x18b: {  	_ =	swait.ge [sflag:s5], $0x4000  }
0x18c: {  	[sflag:s5] =	ssyncset.done $0x0  }
0x18d: {  	[sflag:s5] =	ssyncadd.s32 $0xFFFFC000  }
0x18e: {  	_ =	swait.ge [sflag:s5], $0x4000  }
0x18f: {  	[sflag:s5] =	ssyncset.done $0x0  }
0x190: {  	[sflag:s5] =	ssyncadd.s32 $0xFFFFC000  }
0x191: {  	_ =	swait.ge [sflag:s5], $0x4000  }
0x192: {  	[sflag:s5] =	ssyncset.done $0x0  }
0x193: {  	[sflag:s5] =	ssyncadd.s32 $0xFFFFC000  }
0x194: {  	_ =	swait.ge [sflag:s5], $0x4000  }
0x195: {  	[sflag:s5] =	ssyncset.done $0x0  }
0x196: {  	[sflag:s5] =	ssyncadd.s32 $0xFFFFC000  }
0x197: {  	_ =	swait.ge [sflag:s5], $0x4000  }
0x198: {  	[sflag:s5] =	ssyncset.done $0x0  }
0x199: {  	[sflag:s5] =	ssyncadd.s32 $0xFFFFC000  }
0x19a: {  	_ =	swait.ge [sflag:s3], $0x200  }
0x19b: {  	[sflag:s3] =	ssyncset.done $0x0  }
0x19c: {  	[sflag:s3] =	ssyncadd.s32 $0xFFFFFE00  }
0x19d: {  	_ =	swait.ge [sflag:s3], $0x200  }
0x19e: {  	[sflag:s3] =	ssyncset.done $0x0  }
0x19f: {  	[sflag:s3] =	ssyncadd.s32 $0xFFFFFE00  }
0x1a0: {  	_ =	sfence.sel $0x180000  }
0x1a1: {  	[bflag:$0x0] =	sbarrier.arrive $0xFFFF  }
0x1a2: {  	_ =	strace $0x90000047  }
0x1a3: {  	s31 =	stileid.u32;
	[bflag:$0x2] =	sbarrier.arrive $0xFFFF  }
0x1a4: {  	p0 =	sne.s32 s31, $0x0;
	s0 =	rddreg [dreg:$0x7]  }
0x1a5: {  	s0 =	sadd.s32 @!p0 $0x100000, s0  }
0x1a6: {  	[sflag:s0] =	ssyncadd.tile.s32 @!p0 $0x1;
	_ =	shalt  }
.LBB2_1:
.Ltmp3:
0x1a7: {  	(pc) =	sbr.rel .LBB2_6-.Ltmp3, $3  }
0x1a8: {  	_ =	sdelay $0x1  }
0x1a9: {  	s28 =	simm.s32 $0x1C780  }
0x1aa: {  	s31 =	simm.s32 $0x1C700;
	s30 =	simm.s32 $0x1C680;
	s29 =	simm.s32 $0x1C580  }
.LBB2_3:
.Ltmp4:
0x1ab: {  	(pc) =	sbr.rel .LBB2_6-.Ltmp4, $3  }
0x1ac: {  	_ =	sdelay $0x1  }
0x1ad: {  	s28 =	simm.s32 $0x1C780  }
0x1ae: {  	s31 =	simm.s32 $0x1C700;
	s30 =	simm.s32 $0x1C680;
	s29 =	simm.s32 $0x1C580  }
.Lfunc_end2:
_tile_overlayer_lowered:
.L_overlay_start_2:
0x1af: {  	(tag) =	ssettag $0x2  }
0x1b0: {  	s0 =	rddreg [dreg:$0x0];
	s2 =	stileid.u32  }
0x1b1: {  	s1 =	rddreg [dreg:$0x1];
	p0 =	sne.s32 s2, $0x0  }
0x1b2: {  	s3 =	rddreg [dreg:$0x2];
	[bflag:$0x3] =	sbarrier.arrive $0xFFFF;
	s2 =	simm.s32 @!p0 $0x1C04  }
0x1b3: {  	[timem:s3], [sflag:s2] =	dma.local @!p0 [hbm:s0], s1  }
0x1b4: {  	s0 =	simm.s32 @!p0 $0x4  }
0x1b5: {  	_ =	swait.ge @!p0 [sflag:s0], s1  }
0x1b6: {  	s1 =	ssub.s32 @!p0 $0x0, s1;
	[sflag:s0] =	ssyncset.done @!p0 $0x0  }
0x1b7: {  	[sflag:s0] =	ssyncadd.s32 @!p0 s1  }
0x1b8: {  	[bflag:$0x3] =	sbarrier.arrive $0xFFFF  }
0x1b9: {  	_ =	shalt  }

</sc_bundles>
